<compile_context>
chip_gen: v7x
topology: tpu7x:2x2x1
jax: 0.10.2.dev20260603
libtpu: 0.0.44.dev20260713+nightly
codegen_flags: <defaults>
</compile_context>

<pallas_src>
import functools

import jax
import jax.numpy as jnp
from jax import lax
from jax.experimental import pallas as pl
from jax.experimental.pallas import tpu as pltpu
from jax.experimental.pallas import tpu_sc as plsc

_L = 16
_NW = 32
_NBUF = 3


def _router_body(batch, seq, d_model, n_tiles,
                 x4, pos2d, sl_hbm, sigs_hbm, pe_hbm, plate_hbm,
                 sel_out, tgt_out,
                 xga, xgb, xgc, pos_v, sel_v, tgt_v,
                 sigs_v, pe_v, plate_v, sl_v,
                 sem_a, sem_b, sem_c, sem_p):
  stripe = seq // _NW
  gper = stripe // 8
  cpb = stripe // _L

  wid = lax.axis_index("s") * 2 + lax.axis_index("c")
  col0 = wid * stripe

  bufs = (xga, xgb, xgc)
  sems = (sem_a, sem_b, sem_c)

  def fire(ph):
    return pltpu.async_copy(
        x4.at[pl.ds(ph * (seq // 8) + wid * gper, gper), :, pl.ds(0, 128)],
        bufs[ph % _NBUF], sems[ph % _NBUF])

  h = [fire(ph) for ph in range(min(_NBUF, batch))]
  h += [None] * (batch - len(h))
  cp = pltpu.async_copy(pos2d.at[:, pl.ds(col0, stripe)], pos_v, sem_p)
  pltpu.sync_copy(sigs_hbm, sigs_v)
  pltpu.sync_copy(pe_hbm, pe_v)
  pltpu.sync_copy(plate_hbm, plate_v)
  pltpu.sync_copy(sl_hbm, sl_v)

  lane = lax.iota(jnp.int32, _L)
  one_i = jnp.full((_L,), 1, jnp.int32)
  zero_i = jnp.full((_L,), 0, jnp.int32)
  two_i = jnp.full((_L,), 2, jnp.int32)
  four_i = jnp.full((_L,), 4, jnp.int32)
  seven_i = jnp.full((_L,), 7, jnp.int32)
  three_i = jnp.full((_L,), 3, jnp.int32)
  one_f = jnp.full((_L,), 1.0, jnp.float32)
  two_f = jnp.full((_L,), 2.0, jnp.float32)
  zero_f = jnp.full((_L,), 0.0, jnp.float32)
  neg_inf = jnp.full((_L,), -jnp.inf, jnp.float32)

  sl_spl = sl_v[...]

  gd = lax.GatherDimensionNumbers(
      offset_dims=(), collapsed_slice_dims=(0,), start_index_map=(0,))

  def butterfly(vec, op):
    cur = vec
    for sh in (8, 4, 2, 1):
      perm = lane ^ jnp.full((_L,), sh, jnp.int32)
      partner = lax.gather(cur, perm[:, None], gd, slice_sizes=(1,),
                           mode=lax.GatherScatterMode.PROMISE_IN_BOUNDS)
      cur = op(cur, partner)
    return cur

  svec_e = neg_inf
  svec_l = neg_inf
  w_e = pe_v[...]
  w_l = plate_v[...]
  for t in range(n_tiles):
    row = sigs_v[pl.ds(t * _L, _L)]
    th = one_f - two_f / (jnp.exp(row * two_f) + one_f)
    t_spl = jnp.full((_L,), t, jnp.int32)
    svec_e = jnp.where(lane == t_spl, butterfly(w_e * th, jnp.add), svec_e)
    svec_l = jnp.where(lane == t_spl, butterfly(w_l * th, jnp.add), svec_l)

  def argmax_splat(svec):
    cur = butterfly(svec, jnp.maximum)
    sel = plsc.all_reduce_ffs(svec == cur)
    return jnp.broadcast_to(sel, (_L,))

  e_sel = argmax_splat(svec_e)
  l_sel = argmax_splat(svec_l)

  cp.wait()

  for ph in range(batch):
    h[ph].wait()
    buf = bufs[ph % _NBUF]

    def chunk(c, carry, ph=ph, buf=buf):
      off = pl.multiple_of(c * _L, _L)
      sl_ix = pl.ds(off, _L)
      tl = jnp.broadcast_to(off, (_L,)) + lane
      gi = lax.shift_right_logical(tl, three_i)
      ri = tl & seven_i
      x0 = plsc.load_gather(buf, (gi, ri, zero_i))
      x1 = plsc.load_gather(buf, (gi, ri, one_i))
      p16 = pos_v[ph, sl_ix]
      is_early = (p16 + p16) < sl_spl
      sel_v[ph, sl_ix] = jnp.where(is_early, e_sel, l_sel)
      tgt_v[ph, sl_ix] = (jnp.where(is_early, zero_i, four_i)
                          + jnp.where(x0 > zero_f, two_i, zero_i)
                          + jnp.where(x1 > zero_f, one_i, zero_i))
      return carry

    lax.fori_loop(0, cpb, chunk, 0, unroll=2)
    if ph + _NBUF < batch:
      h[ph + _NBUF] = fire(ph + _NBUF)

  pltpu.sync_copy(sel_v, sel_out.at[:, pl.ds(col0, stripe)])
  pltpu.sync_copy(tgt_v, tgt_out.at[:, pl.ds(col0, stripe)])


def kernel(x, positions, seq_len, position_sigs, pos_early, pos_late):
  b, s, d = x.shape
  n = b * s
  t_tiles = position_sigs.shape[0]
  stripe = s // _NW

  x4 = x.reshape(n // 8, 8, d)
  pos2d = positions.astype(jnp.int32)
  sl = jnp.full((_L,), seq_len, dtype=jnp.int32)
  sigs_flat = position_sigs.reshape(t_tiles * 16)

  mesh = plsc.VectorSubcoreMesh(core_axis_name="c", subcore_axis_name="s",
                                num_cores=2, num_subcores=16)
  out_i32 = jax.ShapeDtypeStruct((b, s), jnp.int32)
  fn = pl.kernel(
      functools.partial(_router_body, b, s, d, t_tiles),
      out_type=[out_i32, out_i32],
      mesh=mesh,
      compiler_params=pltpu.CompilerParams(needs_layout_passes=False),
      scratch_types=[
          pltpu.VMEM((stripe // 8, 8, 128), jnp.float32),
          pltpu.VMEM((stripe // 8, 8, 128), jnp.float32),
          pltpu.VMEM((stripe // 8, 8, 128), jnp.float32),
          pltpu.VMEM((b, stripe), jnp.int32),
          pltpu.VMEM((b, stripe), jnp.int32),
          pltpu.VMEM((b, stripe), jnp.int32),
          pltpu.VMEM((t_tiles * _L,), jnp.float32),
          pltpu.VMEM((_L,), jnp.float32),
          pltpu.VMEM((_L,), jnp.float32),
          pltpu.VMEM((_L,), jnp.int32),
          pltpu.SemaphoreType.DMA,
          pltpu.SemaphoreType.DMA,
          pltpu.SemaphoreType.DMA,
          pltpu.SemaphoreType.DMA,
      ],
  )
  return tuple(fn(x4, pos2d, sl, sigs_flat, pos_early, pos_late))

# --- scband reference (transcript-rebuilt; emitter-appended) ---
"""Pipeline reference for scband-position-only-strict-router-51934744543429 (READ-ONLY COPY).

The authoritative reference and input builder live on the scoring server;
editing this copy changes nothing except your own understanding.
"""

import jax, jax.numpy as jnp
import numpy as np

B, S, D, P, T = 4, 8192, 2048, 16, 8

def setup_inputs(seed: int = 0) -> dict:
    key = jax.random.key(seed)
    k1, k2, k3, k4, k5 = jax.random.split(key, 5)
    x = jax.random.normal(k1, (B, S, D), dtype=jnp.float32)
    positions = jax.random.randint(k2, (B, S), 0, 8192)
    position_sigs = jax.random.normal(k3, (T, P), dtype=jnp.float32) * 0.1
    pos_early = jax.random.normal(k4, (P,), dtype=jnp.float32)
    pos_late = jax.random.normal(k5, (P,), dtype=jnp.float32)
    return {
        'x': x,
        'positions': positions,
        'seq_len': 8192,
        'position_sigs': position_sigs,
        'pos_early': pos_early,
        'pos_late': pos_late,
    }

def reference(x, positions, seq_len, position_sigs, pos_early, pos_late):
    # get_position_encoding
    is_early = positions < (seq_len / 2)
    pos_enc = jnp.where(
        is_early[..., None],
        jnp.broadcast_to(pos_early[None, None, :], (positions.shape[0], positions.shape[1], pos_early.shape[0])),
        jnp.broadcast_to(pos_late[None, None, :], (positions.shape[0], positions.shape[1], pos_late.shape[0])),
    )
    # scores over tiles
    scores = jnp.einsum('bsp,tp->bst', pos_enc, jnp.tanh(position_sigs))
    selected = jnp.argmax(scores, axis=-1)
    # get_target_tile
    position_class = (~is_early).astype(jnp.int32)
    f0_pos = (x[..., 0] > 0).astype(jnp.int32)
    f1_pos = (x[..., 1] > 0).astype(jnp.int32)
    content_class = f0_pos * 2 + f1_pos
    targets = position_class * 4 + content_class
    return selected, targets

if __name__ == "__main__":
    import jax
    _d = setup_inputs()
    print(jax.jit(kernel)(*tuple(_d.values())))

</pallas_src>

<mosaic_0001>
#map = affine_map<(d0, d1) -> (0, 0, 0)>
#map1 = affine_map<(d0, d1) -> (0, 0)>
#map2 = affine_map<(d0, d1) -> (0)>
module attributes {stable_mosaic.version = 14 : i64} {
  func.func @_router_body(%arg0: i32, %arg1: i32, %arg2: memref<4096x8x2048xf32, #tpu.memory_space<hbm>>, %arg3: memref<4x8192xi32, #tpu.memory_space<hbm>>, %arg4: memref<16xi32, #tpu.memory_space<hbm>>, %arg5: memref<128xf32, #tpu.memory_space<hbm>>, %arg6: memref<16xf32, #tpu.memory_space<hbm>>, %arg7: memref<16xf32, #tpu.memory_space<hbm>>, %arg8: memref<4x8192xi32, #tpu.memory_space<hbm>>, %arg9: memref<4x8192xi32, #tpu.memory_space<hbm>>, %arg10: memref<32x8x128xf32, #tpu.memory_space<vmem>>, %arg11: memref<32x8x128xf32, #tpu.memory_space<vmem>>, %arg12: memref<32x8x128xf32, #tpu.memory_space<vmem>>, %arg13: memref<4x256xi32, #tpu.memory_space<vmem>>, %arg14: memref<4x256xi32, #tpu.memory_space<vmem>>, %arg15: memref<4x256xi32, #tpu.memory_space<vmem>>, %arg16: memref<128xf32, #tpu.memory_space<vmem>>, %arg17: memref<16xf32, #tpu.memory_space<vmem>>, %arg18: memref<16xf32, #tpu.memory_space<vmem>>, %arg19: memref<16xi32, #tpu.memory_space<vmem>>, %arg20: memref<!tpu.dma_semaphore, #tpu.memory_space<semaphore_mem>>, %arg21: memref<!tpu.dma_semaphore, #tpu.memory_space<semaphore_mem>>, %arg22: memref<!tpu.dma_semaphore, #tpu.memory_space<semaphore_mem>>, %arg23: memref<!tpu.dma_semaphore, #tpu.memory_space<semaphore_mem>>) attributes {dimension_semantics = [#tpu.dimension_semantics<core_parallel>, #tpu.dimension_semantics<subcore_parallel>], iteration_bounds = array<i64: 2, 16>, scalar_prefetch = 0 : i64, scratch_operands = 14 : i64, tpu.core_type = #tpu.core_type<sc_vector_subcore>, window_params = [{transform_indices = #map}, {transform_indices = #map1}, {transform_indices = #map2}, {transform_indices = #map2}, {transform_indices = #map2}, {transform_indices = #map2}, {transform_indices = #map1}, {transform_indices = #map1}]} {
    %mul3A = arith.constant 2 : i32
    %mul3A_0 = arith.muli %arg1, %mul3A : i32
    %add3A = arith.addi %mul3A_0, %arg0 : i32
    %mul3A_1 = arith.constant 256 : i32
    %mul3A_2 = arith.muli %add3A, %mul3A_1 : i32
    %mul3A_3 = arith.constant 32 : i32
    %mul3A_4 = arith.muli %add3A, %mul3A_3 : i32
    %add3A_5 = arith.constant 0 : i32
    %add3A_6 = arith.addi %add3A_5, %mul3A_4 : i32
    %dma_start3A = arith.constant 0 : i32
    %dma_start3A_7 = arith.constant 0 : i32
    %dma_start3A_8 = tpu.memref_slice %arg2[%add3A_6, %dma_start3A, %dma_start3A_7] : memref<4096x8x2048xf32, #tpu.memory_space<hbm>> -> memref<32x8x128xf32, #tpu.memory_space<hbm>>
    %dma_start3A_9 = arith.constant 0 : i32
    %dma_start3A_10 = arith.constant 0 : i32
    %dma_start3A_11 = tpu.memref_slice %arg2[%add3A_6, %dma_start3A_9, %dma_start3A_10] : memref<4096x8x2048xf32, #tpu.memory_space<hbm>> -> memref<32x8x128xf32, #tpu.memory_space<hbm>>
    tpu.enqueue_dma source(%dma_start3A_11 : memref<32x8x128xf32, #tpu.memory_space<hbm>>) target(%arg10 : memref<32x8x128xf32, #tpu.memory_space<vmem>>) target_semaphore(%arg20 : memref<!tpu.dma_semaphore, #tpu.memory_space<semaphore_mem>>)
    %mul3A_12 = arith.constant 32 : i32
    %mul3A_13 = arith.muli %add3A, %mul3A_12 : i32
    %add3A_14 = arith.constant 1024 : i32
    %add3A_15 = arith.addi %add3A_14, %mul3A_13 : i32
    %dma_start3A_16 = arith.constant 0 : i32
    %dma_start3A_17 = arith.constant 0 : i32
    %dma_start3A_18 = tpu.memref_slice %arg2[%add3A_15, %dma_start3A_16, %dma_start3A_17] : memref<4096x8x2048xf32, #tpu.memory_space<hbm>> -> memref<32x8x128xf32, #tpu.memory_space<hbm>>
    %dma_start3A_19 = arith.constant 0 : i32
    %dma_start3A_20 = arith.constant 0 : i32
    %dma_start3A_21 = tpu.memref_slice %arg2[%add3A_15, %dma_start3A_19, %dma_start3A_20] : memref<4096x8x2048xf32, #tpu.memory_space<hbm>> -> memref<32x8x128xf32, #tpu.memory_space<hbm>>
    tpu.enqueue_dma source(%dma_start3A_21 : memref<32x8x128xf32, #tpu.memory_space<hbm>>) target(%arg11 : memref<32x8x128xf32, #tpu.memory_space<vmem>>) target_semaphore(%arg21 : memref<!tpu.dma_semaphore, #tpu.memory_space<semaphore_mem>>)
    %mul3A_22 = arith.constant 32 : i32
    %mul3A_23 = arith.muli %add3A, %mul3A_22 : i32
    %add3A_24 = arith.constant 2048 : i32
    %add3A_25 = arith.addi %add3A_24, %mul3A_23 : i32
    %dma_start3A_26 = arith.constant 0 : i32
    %dma_start3A_27 = arith.constant 0 : i32
    %dma_start3A_28 = tpu.memref_slice %arg2[%add3A_25, %dma_start3A_26, %dma_start3A_27] : memref<4096x8x2048xf32, #tpu.memory_space<hbm>> -> memref<32x8x128xf32, #tpu.memory_space<hbm>>
    %dma_start3A_29 = arith.constant 0 : i32
    %dma_start3A_30 = arith.constant 0 : i32
    %dma_start3A_31 = tpu.memref_slice %arg2[%add3A_25, %dma_start3A_29, %dma_start3A_30] : memref<4096x8x2048xf32, #tpu.memory_space<hbm>> -> memref<32x8x128xf32, #tpu.memory_space<hbm>>
    tpu.enqueue_dma source(%dma_start3A_31 : memref<32x8x128xf32, #tpu.memory_space<hbm>>) target(%arg12 : memref<32x8x128xf32, #tpu.memory_space<vmem>>) target_semaphore(%arg22 : memref<!tpu.dma_semaphore, #tpu.memory_space<semaphore_mem>>)
    %dma_start3A_32 = arith.constant 0 : i32
    %dma_start3A_33 = tpu.memref_slice %arg3[%dma_start3A_32, %mul3A_2] : memref<4x8192xi32, #tpu.memory_space<hbm>> -> memref<4x256xi32, #tpu.memory_space<hbm>>
    %dma_start3A_34 = arith.constant 0 : i32
    %dma_start3A_35 = tpu.memref_slice %arg3[%dma_start3A_34, %mul3A_2] : memref<4x8192xi32, #tpu.memory_space<hbm>> -> memref<4x256xi32, #tpu.memory_space<hbm>>
    tpu.enqueue_dma source(%dma_start3A_35 : memref<4x256xi32, #tpu.memory_space<hbm>>) target(%arg13 : memref<4x256xi32, #tpu.memory_space<vmem>>) target_semaphore(%arg23 : memref<!tpu.dma_semaphore, #tpu.memory_space<semaphore_mem>>)
    "tpu.region"() ({
      %run_scoped3A = tpu.sem_alloc : memref<!tpu.dma_semaphore, #tpu.memory_space<semaphore_mem>>
      tpu.enqueue_dma source(%arg5 : memref<128xf32, #tpu.memory_space<hbm>>) target(%arg16 : memref<128xf32, #tpu.memory_space<vmem>>) target_semaphore(%run_scoped3A : memref<!tpu.dma_semaphore, #tpu.memory_space<semaphore_mem>>)
      tpu.wait_dma2 semaphore(%run_scoped3A : memref<!tpu.dma_semaphore, #tpu.memory_space<semaphore_mem>>) src(%arg5 : memref<128xf32, #tpu.memory_space<hbm>>) dst(%arg16 : memref<128xf32, #tpu.memory_space<vmem>>)
      tpu.yield
    }) : () -> ()
    "tpu.region"() ({
      %run_scoped3A = tpu.sem_alloc : memref<!tpu.dma_semaphore, #tpu.memory_space<semaphore_mem>>
      tpu.enqueue_dma source(%arg6 : memref<16xf32, #tpu.memory_space<hbm>>) target(%arg17 : memref<16xf32, #tpu.memory_space<vmem>>) target_semaphore(%run_scoped3A : memref<!tpu.dma_semaphore, #tpu.memory_space<semaphore_mem>>)
      tpu.wait_dma2 semaphore(%run_scoped3A : memref<!tpu.dma_semaphore, #tpu.memory_space<semaphore_mem>>) src(%arg6 : memref<16xf32, #tpu.memory_space<hbm>>) dst(%arg17 : memref<16xf32, #tpu.memory_space<vmem>>)
      tpu.yield
    }) : () -> ()
    "tpu.region"() ({
      %run_scoped3A = tpu.sem_alloc : memref<!tpu.dma_semaphore, #tpu.memory_space<semaphore_mem>>
      tpu.enqueue_dma source(%arg7 : memref<16xf32, #tpu.memory_space<hbm>>) target(%arg18 : memref<16xf32, #tpu.memory_space<vmem>>) target_semaphore(%run_scoped3A : memref<!tpu.dma_semaphore, #tpu.memory_space<semaphore_mem>>)
      tpu.wait_dma2 semaphore(%run_scoped3A : memref<!tpu.dma_semaphore, #tpu.memory_space<semaphore_mem>>) src(%arg7 : memref<16xf32, #tpu.memory_space<hbm>>) dst(%arg18 : memref<16xf32, #tpu.memory_space<vmem>>)
      tpu.yield
    }) : () -> ()
    "tpu.region"() ({
      %run_scoped3A = tpu.sem_alloc : memref<!tpu.dma_semaphore, #tpu.memory_space<semaphore_mem>>
      tpu.enqueue_dma source(%arg4 : memref<16xi32, #tpu.memory_space<hbm>>) target(%arg19 : memref<16xi32, #tpu.memory_space<vmem>>) target_semaphore(%run_scoped3A : memref<!tpu.dma_semaphore, #tpu.memory_space<semaphore_mem>>)
      tpu.wait_dma2 semaphore(%run_scoped3A : memref<!tpu.dma_semaphore, #tpu.memory_space<semaphore_mem>>) src(%arg4 : memref<16xi32, #tpu.memory_space<hbm>>) dst(%arg19 : memref<16xi32, #tpu.memory_space<vmem>>)
      tpu.yield
    }) : () -> ()
    %iota3A = tpu.iota {dimensions = array<i32: 0>} : vector<16xi32>
    %broadcast_in_dim3A = arith.constant 1 : i32
    %broadcast_in_dim3A_36 = vector.broadcast %broadcast_in_dim3A : i32 to vector<16xi32>
    %broadcast_in_dim3A_37 = arith.constant 0 : i32
    %broadcast_in_dim3A_38 = vector.broadcast %broadcast_in_dim3A_37 : i32 to vector<16xi32>
    %broadcast_in_dim3A_39 = arith.constant 2 : i32
    %broadcast_in_dim3A_40 = vector.broadcast %broadcast_in_dim3A_39 : i32 to vector<16xi32>
    %broadcast_in_dim3A_41 = arith.constant 4 : i32
    %broadcast_in_dim3A_42 = vector.broadcast %broadcast_in_dim3A_41 : i32 to vector<16xi32>
    %broadcast_in_dim3A_43 = arith.constant 7 : i32
    %broadcast_in_dim3A_44 = vector.broadcast %broadcast_in_dim3A_43 : i32 to vector<16xi32>
    %broadcast_in_dim3A_45 = arith.constant 3 : i32
    %broadcast_in_dim3A_46 = vector.broadcast %broadcast_in_dim3A_45 : i32 to vector<16xi32>
    %broadcast_in_dim3A_47 = arith.constant 1.000000e+00 : f32
    %broadcast_in_dim3A_48 = vector.broadcast %broadcast_in_dim3A_47 : f32 to vector<16xf32>
    %broadcast_in_dim3A_49 = arith.constant 2.000000e+00 : f32
    %broadcast_in_dim3A_50 = vector.broadcast %broadcast_in_dim3A_49 : f32 to vector<16xf32>
    %broadcast_in_dim3A_51 = arith.constant 0.000000e+00 : f32
    %broadcast_in_dim3A_52 = vector.broadcast %broadcast_in_dim3A_51 : f32 to vector<16xf32>
    %broadcast_in_dim3A_53 = arith.constant 0xFF800000 : f32
    %broadcast_in_dim3A_54 = vector.broadcast %broadcast_in_dim3A_53 : f32 to vector<16xf32>
    %get3A = arith.constant 0 : index
    %get3A_55 = tpu.vector_load %arg19[%get3A] {strides = array<i32>} : memref<16xi32, #tpu.memory_space<vmem>>, vector<16xi32>,
    %get3A_56 = arith.constant 0 : index
    %get3A_57 = tpu.vector_load %arg17[%get3A_56] {strides = array<i32>} : memref<16xf32, #tpu.memory_space<vmem>>, vector<16xf32>,
    %get3A_58 = arith.constant 0 : index
    %get3A_59 = tpu.vector_load %arg18[%get3A_58] {strides = array<i32>} : memref<16xf32, #tpu.memory_space<vmem>>, vector<16xf32>,
    %get3A_60 = arith.constant 0 : index
    %get3A_61 = tpu.vector_load %arg16[%get3A_60] {strides = array<i32>} : memref<128xf32, #tpu.memory_space<vmem>>, vector<16xf32>,
    %mul3A_62 = arith.mulf %get3A_61, %broadcast_in_dim3A_50 : vector<16xf32>
    %exp3A = math.exp %mul3A_62 : vector<16xf32>
    %add3A_63 = arith.addf %exp3A, %broadcast_in_dim3A_48 : vector<16xf32>
    %div3A = arith.divf %broadcast_in_dim3A_50, %add3A_63 : vector<16xf32>
    %sub3A = arith.subf %broadcast_in_dim3A_48, %div3A : vector<16xf32>
    %broadcast_in_dim3A_64 = arith.constant 0 : i32
    %broadcast_in_dim3A_65 = vector.broadcast %broadcast_in_dim3A_64 : i32 to vector<16xi32>
    %eq3A = arith.cmpi eq, %iota3A, %broadcast_in_dim3A_65 : vector<16xi32>
    %mul3A_66 = arith.mulf %get3A_57, %sub3A : vector<16xf32>
    %broadcast_in_dim3A_67 = arith.constant 8 : i32
    %broadcast_in_dim3A_68 = vector.broadcast %broadcast_in_dim3A_67 : i32 to vector<16xi32>
    %xor3A = arith.xori %iota3A, %broadcast_in_dim3A_68 : vector<16xi32>
    %broadcast_in_dim3A_69 = vector.shape_cast %xor3A : vector<16xi32> to vector<16x1xi32>
    %gather3A = vector.shape_cast %broadcast_in_dim3A_69 : vector<16x1xi32> to vector<16xi32>
    %gather3A_70 = tpu.dynamic_gather %mul3A_66[%gather3A] in [0] : vector<16xf32>, vector<16xi32> -> vector<16xf32>
    %add3A_71 = arith.addf %mul3A_66, %gather3A_70 : vector<16xf32>
    %broadcast_in_dim3A_72 = arith.constant 4 : i32
    %broadcast_in_dim3A_73 = vector.broadcast %broadcast_in_dim3A_72 : i32 to vector<16xi32>
    %xor3A_74 = arith.xori %iota3A, %broadcast_in_dim3A_73 : vector<16xi32>
    %broadcast_in_dim3A_75 = vector.shape_cast %xor3A_74 : vector<16xi32> to vector<16x1xi32>
    %gather3A_76 = vector.shape_cast %broadcast_in_dim3A_75 : vector<16x1xi32> to vector<16xi32>
    %gather3A_77 = tpu.dynamic_gather %add3A_71[%gather3A_76] in [0] : vector<16xf32>, vector<16xi32> -> vector<16xf32>
    %add3A_78 = arith.addf %add3A_71, %gather3A_77 : vector<16xf32>
    %broadcast_in_dim3A_79 = arith.constant 2 : i32
    %broadcast_in_dim3A_80 = vector.broadcast %broadcast_in_dim3A_79 : i32 to vector<16xi32>
    %xor3A_81 = arith.xori %iota3A, %broadcast_in_dim3A_80 : vector<16xi32>
    %broadcast_in_dim3A_82 = vector.shape_cast %xor3A_81 : vector<16xi32> to vector<16x1xi32>
    %gather3A_83 = vector.shape_cast %broadcast_in_dim3A_82 : vector<16x1xi32> to vector<16xi32>
    %gather3A_84 = tpu.dynamic_gather %add3A_78[%gather3A_83] in [0] : vector<16xf32>, vector<16xi32> -> vector<16xf32>
    %add3A_85 = arith.addf %add3A_78, %gather3A_84 : vector<16xf32>
    %broadcast_in_dim3A_86 = arith.constant 1 : i32
    %broadcast_in_dim3A_87 = vector.broadcast %broadcast_in_dim3A_86 : i32 to vector<16xi32>
    %xor3A_88 = arith.xori %iota3A, %broadcast_in_dim3A_87 : vector<16xi32>
    %broadcast_in_dim3A_89 = vector.shape_cast %xor3A_88 : vector<16xi32> to vector<16x1xi32>
    %gather3A_90 = vector.shape_cast %broadcast_in_dim3A_89 : vector<16x1xi32> to vector<16xi32>
    %gather3A_91 = tpu.dynamic_gather %add3A_85[%gather3A_90] in [0] : vector<16xf32>, vector<16xi32> -> vector<16xf32>
    %add3A_92 = arith.addf %add3A_85, %gather3A_91 : vector<16xf32>
    %select_n3A = arith.select %eq3A, %add3A_92, %broadcast_in_dim3A_54 : vector<16xi1>, vector<16xf32>
    %eq3A_93 = arith.cmpi eq, %iota3A, %broadcast_in_dim3A_65 : vector<16xi32>
    %mul3A_94 = arith.mulf %get3A_59, %sub3A : vector<16xf32>
    %broadcast_in_dim3A_95 = arith.constant 8 : i32
    %broadcast_in_dim3A_96 = vector.broadcast %broadcast_in_dim3A_95 : i32 to vector<16xi32>
    %xor3A_97 = arith.xori %iota3A, %broadcast_in_dim3A_96 : vector<16xi32>
    %broadcast_in_dim3A_98 = vector.shape_cast %xor3A_97 : vector<16xi32> to vector<16x1xi32>
    %gather3A_99 = vector.shape_cast %broadcast_in_dim3A_98 : vector<16x1xi32> to vector<16xi32>
    %gather3A_100 = tpu.dynamic_gather %mul3A_94[%gather3A_99] in [0] : vector<16xf32>, vector<16xi32> -> vector<16xf32>
    %add3A_101 = arith.addf %mul3A_94, %gather3A_100 : vector<16xf32>
    %broadcast_in_dim3A_102 = arith.constant 4 : i32
    %broadcast_in_dim3A_103 = vector.broadcast %broadcast_in_dim3A_102 : i32 to vector<16xi32>
    %xor3A_104 = arith.xori %iota3A, %broadcast_in_dim3A_103 : vector<16xi32>
    %broadcast_in_dim3A_105 = vector.shape_cast %xor3A_104 : vector<16xi32> to vector<16x1xi32>
    %gather3A_106 = vector.shape_cast %broadcast_in_dim3A_105 : vector<16x1xi32> to vector<16xi32>
    %gather3A_107 = tpu.dynamic_gather %add3A_101[%gather3A_106] in [0] : vector<16xf32>, vector<16xi32> -> vector<16xf32>
    %add3A_108 = arith.addf %add3A_101, %gather3A_107 : vector<16xf32>
    %broadcast_in_dim3A_109 = arith.constant 2 : i32
    %broadcast_in_dim3A_110 = vector.broadcast %broadcast_in_dim3A_109 : i32 to vector<16xi32>
    %xor3A_111 = arith.xori %iota3A, %broadcast_in_dim3A_110 : vector<16xi32>
    %broadcast_in_dim3A_112 = vector.shape_cast %xor3A_111 : vector<16xi32> to vector<16x1xi32>
    %gather3A_113 = vector.shape_cast %broadcast_in_dim3A_112 : vector<16x1xi32> to vector<16xi32>
    %gather3A_114 = tpu.dynamic_gather %add3A_108[%gather3A_113] in [0] : vector<16xf32>, vector<16xi32> -> vector<16xf32>
    %add3A_115 = arith.addf %add3A_108, %gather3A_114 : vector<16xf32>
    %broadcast_in_dim3A_116 = arith.constant 1 : i32
    %broadcast_in_dim3A_117 = vector.broadcast %broadcast_in_dim3A_116 : i32 to vector<16xi32>
    %xor3A_118 = arith.xori %iota3A, %broadcast_in_dim3A_117 : vector<16xi32>
    %broadcast_in_dim3A_119 = vector.shape_cast %xor3A_118 : vector<16xi32> to vector<16x1xi32>
    %gather3A_120 = vector.shape_cast %broadcast_in_dim3A_119 : vector<16x1xi32> to vector<16xi32>
    %gather3A_121 = tpu.dynamic_gather %add3A_115[%gather3A_120] in [0] : vector<16xf32>, vector<16xi32> -> vector<16xf32>
    %add3A_122 = arith.addf %add3A_115, %gather3A_121 : vector<16xf32>
    %select_n3A_123 = arith.select %eq3A_93, %add3A_122, %broadcast_in_dim3A_54 : vector<16xi1>, vector<16xf32>
    %get3A_124 = arith.constant 16 : index
    %get3A_125 = tpu.vector_load %arg16[%get3A_124] {strides = array<i32>} : memref<128xf32, #tpu.memory_space<vmem>>, vector<16xf32>,
    %mul3A_126 = arith.mulf %get3A_125, %broadcast_in_dim3A_50 : vector<16xf32>
    %exp3A_127 = math.exp %mul3A_126 : vector<16xf32>
    %add3A_128 = arith.addf %exp3A_127, %broadcast_in_dim3A_48 : vector<16xf32>
    %div3A_129 = arith.divf %broadcast_in_dim3A_50, %add3A_128 : vector<16xf32>
    %sub3A_130 = arith.subf %broadcast_in_dim3A_48, %div3A_129 : vector<16xf32>
    %broadcast_in_dim3A_131 = arith.constant 1 : i32
    %broadcast_in_dim3A_132 = vector.broadcast %broadcast_in_dim3A_131 : i32 to vector<16xi32>
    %eq3A_133 = arith.cmpi eq, %iota3A, %broadcast_in_dim3A_132 : vector<16xi32>
    %mul3A_134 = arith.mulf %get3A_57, %sub3A_130 : vector<16xf32>
    %broadcast_in_dim3A_135 = arith.constant 8 : i32
    %broadcast_in_dim3A_136 = vector.broadcast %broadcast_in_dim3A_135 : i32 to vector<16xi32>
    %xor3A_137 = arith.xori %iota3A, %broadcast_in_dim3A_136 : vector<16xi32>
    %broadcast_in_dim3A_138 = vector.shape_cast %xor3A_137 : vector<16xi32> to vector<16x1xi32>
    %gather3A_139 = vector.shape_cast %broadcast_in_dim3A_138 : vector<16x1xi32> to vector<16xi32>
    %gather3A_140 = tpu.dynamic_gather %mul3A_134[%gather3A_139] in [0] : vector<16xf32>, vector<16xi32> -> vector<16xf32>
    %add3A_141 = arith.addf %mul3A_134, %gather3A_140 : vector<16xf32>
    %broadcast_in_dim3A_142 = arith.constant 4 : i32
    %broadcast_in_dim3A_143 = vector.broadcast %broadcast_in_dim3A_142 : i32 to vector<16xi32>
    %xor3A_144 = arith.xori %iota3A, %broadcast_in_dim3A_143 : vector<16xi32>
    %broadcast_in_dim3A_145 = vector.shape_cast %xor3A_144 : vector<16xi32> to vector<16x1xi32>
    %gather3A_146 = vector.shape_cast %broadcast_in_dim3A_145 : vector<16x1xi32> to vector<16xi32>
    %gather3A_147 = tpu.dynamic_gather %add3A_141[%gather3A_146] in [0] : vector<16xf32>, vector<16xi32> -> vector<16xf32>
    %add3A_148 = arith.addf %add3A_141, %gather3A_147 : vector<16xf32>
    %broadcast_in_dim3A_149 = arith.constant 2 : i32
    %broadcast_in_dim3A_150 = vector.broadcast %broadcast_in_dim3A_149 : i32 to vector<16xi32>
    %xor3A_151 = arith.xori %iota3A, %broadcast_in_dim3A_150 : vector<16xi32>
    %broadcast_in_dim3A_152 = vector.shape_cast %xor3A_151 : vector<16xi32> to vector<16x1xi32>
    %gather3A_153 = vector.shape_cast %broadcast_in_dim3A_152 : vector<16x1xi32> to vector<16xi32>
    %gather3A_154 = tpu.dynamic_gather %add3A_148[%gather3A_153] in [0] : vector<16xf32>, vector<16xi32> -> vector<16xf32>
    %add3A_155 = arith.addf %add3A_148, %gather3A_154 : vector<16xf32>
    %broadcast_in_dim3A_156 = arith.constant 1 : i32
    %broadcast_in_dim3A_157 = vector.broadcast %broadcast_in_dim3A_156 : i32 to vector<16xi32>
    %xor3A_158 = arith.xori %iota3A, %broadcast_in_dim3A_157 : vector<16xi32>
    %broadcast_in_dim3A_159 = vector.shape_cast %xor3A_158 : vector<16xi32> to vector<16x1xi32>
    %gather3A_160 = vector.shape_cast %broadcast_in_dim3A_159 : vector<16x1xi32> to vector<16xi32>
    %gather3A_161 = tpu.dynamic_gather %add3A_155[%gather3A_160] in [0] : vector<16xf32>, vector<16xi32> -> vector<16xf32>
    %add3A_162 = arith.addf %add3A_155, %gather3A_161 : vector<16xf32>
    %select_n3A_163 = arith.select %eq3A_133, %add3A_162, %select_n3A : vector<16xi1>, vector<16xf32>
    %eq3A_164 = arith.cmpi eq, %iota3A, %broadcast_in_dim3A_132 : vector<16xi32>
    %mul3A_165 = arith.mulf %get3A_59, %sub3A_130 : vector<16xf32>
    %broadcast_in_dim3A_166 = arith.constant 8 : i32
    %broadcast_in_dim3A_167 = vector.broadcast %broadcast_in_dim3A_166 : i32 to vector<16xi32>
    %xor3A_168 = arith.xori %iota3A, %broadcast_in_dim3A_167 : vector<16xi32>
    %broadcast_in_dim3A_169 = vector.shape_cast %xor3A_168 : vector<16xi32> to vector<16x1xi32>
    %gather3A_170 = vector.shape_cast %broadcast_in_dim3A_169 : vector<16x1xi32> to vector<16xi32>
    %gather3A_171 = tpu.dynamic_gather %mul3A_165[%gather3A_170] in [0] : vector<16xf32>, vector<16xi32> -> vector<16xf32>
    %add3A_172 = arith.addf %mul3A_165, %gather3A_171 : vector<16xf32>
    %broadcast_in_dim3A_173 = arith.constant 4 : i32
    %broadcast_in_dim3A_174 = vector.broadcast %broadcast_in_dim3A_173 : i32 to vector<16xi32>
    %xor3A_175 = arith.xori %iota3A, %broadcast_in_dim3A_174 : vector<16xi32>
    %broadcast_in_dim3A_176 = vector.shape_cast %xor3A_175 : vector<16xi32> to vector<16x1xi32>
    %gather3A_177 = vector.shape_cast %broadcast_in_dim3A_176 : vector<16x1xi32> to vector<16xi32>
    %gather3A_178 = tpu.dynamic_gather %add3A_172[%gather3A_177] in [0] : vector<16xf32>, vector<16xi32> -> vector<16xf32>
    %add3A_179 = arith.addf %add3A_172, %gather3A_178 : vector<16xf32>
    %broadcast_in_dim3A_180 = arith.constant 2 : i32
    %broadcast_in_dim3A_181 = vector.broadcast %broadcast_in_dim3A_180 : i32 to vector<16xi32>
    %xor3A_182 = arith.xori %iota3A, %broadcast_in_dim3A_181 : vector<16xi32>
    %broadcast_in_dim3A_183 = vector.shape_cast %xor3A_182 : vector<16xi32> to vector<16x1xi32>
    %gather3A_184 = vector.shape_cast %broadcast_in_dim3A_183 : vector<16x1xi32> to vector<16xi32>
    %gather3A_185 = tpu.dynamic_gather %add3A_179[%gather3A_184] in [0] : vector<16xf32>, vector<16xi32> -> vector<16xf32>
    %add3A_186 = arith.addf %add3A_179, %gather3A_185 : vector<16xf32>
    %broadcast_in_dim3A_187 = arith.constant 1 : i32
    %broadcast_in_dim3A_188 = vector.broadcast %broadcast_in_dim3A_187 : i32 to vector<16xi32>
    %xor3A_189 = arith.xori %iota3A, %broadcast_in_dim3A_188 : vector<16xi32>
    %broadcast_in_dim3A_190 = vector.shape_cast %xor3A_189 : vector<16xi32> to vector<16x1xi32>
    %gather3A_191 = vector.shape_cast %broadcast_in_dim3A_190 : vector<16x1xi32> to vector<16xi32>
    %gather3A_192 = tpu.dynamic_gather %add3A_186[%gather3A_191] in [0] : vector<16xf32>, vector<16xi32> -> vector<16xf32>
    %add3A_193 = arith.addf %add3A_186, %gather3A_192 : vector<16xf32>
    %select_n3A_194 = arith.select %eq3A_164, %add3A_193, %select_n3A_123 : vector<16xi1>, vector<16xf32>
    %get3A_195 = arith.constant 32 : index
    %get3A_196 = tpu.vector_load %arg16[%get3A_195] {strides = array<i32>} : memref<128xf32, #tpu.memory_space<vmem>>, vector<16xf32>,
    %mul3A_197 = arith.mulf %get3A_196, %broadcast_in_dim3A_50 : vector<16xf32>
    %exp3A_198 = math.exp %mul3A_197 : vector<16xf32>
    %add3A_199 = arith.addf %exp3A_198, %broadcast_in_dim3A_48 : vector<16xf32>
    %div3A_200 = arith.divf %broadcast_in_dim3A_50, %add3A_199 : vector<16xf32>
    %sub3A_201 = arith.subf %broadcast_in_dim3A_48, %div3A_200 : vector<16xf32>
    %broadcast_in_dim3A_202 = arith.constant 2 : i32
    %broadcast_in_dim3A_203 = vector.broadcast %broadcast_in_dim3A_202 : i32 to vector<16xi32>
    %eq3A_204 = arith.cmpi eq, %iota3A, %broadcast_in_dim3A_203 : vector<16xi32>
    %mul3A_205 = arith.mulf %get3A_57, %sub3A_201 : vector<16xf32>
    %broadcast_in_dim3A_206 = arith.constant 8 : i32
    %broadcast_in_dim3A_207 = vector.broadcast %broadcast_in_dim3A_206 : i32 to vector<16xi32>
    %xor3A_208 = arith.xori %iota3A, %broadcast_in_dim3A_207 : vector<16xi32>
    %broadcast_in_dim3A_209 = vector.shape_cast %xor3A_208 : vector<16xi32> to vector<16x1xi32>
    %gather3A_210 = vector.shape_cast %broadcast_in_dim3A_209 : vector<16x1xi32> to vector<16xi32>
    %gather3A_211 = tpu.dynamic_gather %mul3A_205[%gather3A_210] in [0] : vector<16xf32>, vector<16xi32> -> vector<16xf32>
    %add3A_212 = arith.addf %mul3A_205, %gather3A_211 : vector<16xf32>
    %broadcast_in_dim3A_213 = arith.constant 4 : i32
    %broadcast_in_dim3A_214 = vector.broadcast %broadcast_in_dim3A_213 : i32 to vector<16xi32>
    %xor3A_215 = arith.xori %iota3A, %broadcast_in_dim3A_214 : vector<16xi32>
    %broadcast_in_dim3A_216 = vector.shape_cast %xor3A_215 : vector<16xi32> to vector<16x1xi32>
    %gather3A_217 = vector.shape_cast %broadcast_in_dim3A_216 : vector<16x1xi32> to vector<16xi32>
    %gather3A_218 = tpu.dynamic_gather %add3A_212[%gather3A_217] in [0] : vector<16xf32>, vector<16xi32> -> vector<16xf32>
    %add3A_219 = arith.addf %add3A_212, %gather3A_218 : vector<16xf32>
    %broadcast_in_dim3A_220 = arith.constant 2 : i32
    %broadcast_in_dim3A_221 = vector.broadcast %broadcast_in_dim3A_220 : i32 to vector<16xi32>
    %xor3A_222 = arith.xori %iota3A, %broadcast_in_dim3A_221 : vector<16xi32>
    %broadcast_in_dim3A_223 = vector.shape_cast %xor3A_222 : vector<16xi32> to vector<16x1xi32>
    %gather3A_224 = vector.shape_cast %broadcast_in_dim3A_223 : vector<16x1xi32> to vector<16xi32>
    %gather3A_225 = tpu.dynamic_gather %add3A_219[%gather3A_224] in [0] : vector<16xf32>, vector<16xi32> -> vector<16xf32>
    %add3A_226 = arith.addf %add3A_219, %gather3A_225 : vector<16xf32>
    %broadcast_in_dim3A_227 = arith.constant 1 : i32
    %broadcast_in_dim3A_228 = vector.broadcast %broadcast_in_dim3A_227 : i32 to vector<16xi32>
    %xor3A_229 = arith.xori %iota3A, %broadcast_in_dim3A_228 : vector<16xi32>
    %broadcast_in_dim3A_230 = vector.shape_cast %xor3A_229 : vector<16xi32> to vector<16x1xi32>
    %gather3A_231 = vector.shape_cast %broadcast_in_dim3A_230 : vector<16x1xi32> to vector<16xi32>
    %gather3A_232 = tpu.dynamic_gather %add3A_226[%gather3A_231] in [0] : vector<16xf32>, vector<16xi32> -> vector<16xf32>
    %add3A_233 = arith.addf %add3A_226, %gather3A_232 : vector<16xf32>
    %select_n3A_234 = arith.select %eq3A_204, %add3A_233, %select_n3A_163 : vector<16xi1>, vector<16xf32>
    %eq3A_235 = arith.cmpi eq, %iota3A, %broadcast_in_dim3A_203 : vector<16xi32>
    %mul3A_236 = arith.mulf %get3A_59, %sub3A_201 : vector<16xf32>
    %broadcast_in_dim3A_237 = arith.constant 8 : i32
    %broadcast_in_dim3A_238 = vector.broadcast %broadcast_in_dim3A_237 : i32 to vector<16xi32>
    %xor3A_239 = arith.xori %iota3A, %broadcast_in_dim3A_238 : vector<16xi32>
    %broadcast_in_dim3A_240 = vector.shape_cast %xor3A_239 : vector<16xi32> to vector<16x1xi32>
    %gather3A_241 = vector.shape_cast %broadcast_in_dim3A_240 : vector<16x1xi32> to vector<16xi32>
    %gather3A_242 = tpu.dynamic_gather %mul3A_236[%gather3A_241] in [0] : vector<16xf32>, vector<16xi32> -> vector<16xf32>
    %add3A_243 = arith.addf %mul3A_236, %gather3A_242 : vector<16xf32>
    %broadcast_in_dim3A_244 = arith.constant 4 : i32
    %broadcast_in_dim3A_245 = vector.broadcast %broadcast_in_dim3A_244 : i32 to vector<16xi32>
    %xor3A_246 = arith.xori %iota3A, %broadcast_in_dim3A_245 : vector<16xi32>
    %broadcast_in_dim3A_247 = vector.shape_cast %xor3A_246 : vector<16xi32> to vector<16x1xi32>
    %gather3A_248 = vector.shape_cast %broadcast_in_dim3A_247 : vector<16x1xi32> to vector<16xi32>
    %gather3A_249 = tpu.dynamic_gather %add3A_243[%gather3A_248] in [0] : vector<16xf32>, vector<16xi32> -> vector<16xf32>
    %add3A_250 = arith.addf %add3A_243, %gather3A_249 : vector<16xf32>
    %broadcast_in_dim3A_251 = arith.constant 2 : i32
    %broadcast_in_dim3A_252 = vector.broadcast %broadcast_in_dim3A_251 : i32 to vector<16xi32>
    %xor3A_253 = arith.xori %iota3A, %broadcast_in_dim3A_252 : vector<16xi32>
    %broadcast_in_dim3A_254 = vector.shape_cast %xor3A_253 : vector<16xi32> to vector<16x1xi32>
    %gather3A_255 = vector.shape_cast %broadcast_in_dim3A_254 : vector<16x1xi32> to vector<16xi32>
    %gather3A_256 = tpu.dynamic_gather %add3A_250[%gather3A_255] in [0] : vector<16xf32>, vector<16xi32> -> vector<16xf32>
    %add3A_257 = arith.addf %add3A_250, %gather3A_256 : vector<16xf32>
    %broadcast_in_dim3A_258 = arith.constant 1 : i32
    %broadcast_in_dim3A_259 = vector.broadcast %broadcast_in_dim3A_258 : i32 to vector<16xi32>
    %xor3A_260 = arith.xori %iota3A, %broadcast_in_dim3A_259 : vector<16xi32>
    %broadcast_in_dim3A_261 = vector.shape_cast %xor3A_260 : vector<16xi32> to vector<16x1xi32>
    %gather3A_262 = vector.shape_cast %broadcast_in_dim3A_261 : vector<16x1xi32> to vector<16xi32>
    %gather3A_263 = tpu.dynamic_gather %add3A_257[%gather3A_262] in [0] : vector<16xf32>, vector<16xi32> -> vector<16xf32>
    %add3A_264 = arith.addf %add3A_257, %gather3A_263 : vector<16xf32>
    %select_n3A_265 = arith.select %eq3A_235, %add3A_264, %select_n3A_194 : vector<16xi1>, vector<16xf32>
    %get3A_266 = arith.constant 48 : index
    %get3A_267 = tpu.vector_load %arg16[%get3A_266] {strides = array<i32>} : memref<128xf32, #tpu.memory_space<vmem>>, vector<16xf32>,
    %mul3A_268 = arith.mulf %get3A_267, %broadcast_in_dim3A_50 : vector<16xf32>
    %exp3A_269 = math.exp %mul3A_268 : vector<16xf32>
    %add3A_270 = arith.addf %exp3A_269, %broadcast_in_dim3A_48 : vector<16xf32>
    %div3A_271 = arith.divf %broadcast_in_dim3A_50, %add3A_270 : vector<16xf32>
    %sub3A_272 = arith.subf %broadcast_in_dim3A_48, %div3A_271 : vector<16xf32>
    %broadcast_in_dim3A_273 = arith.constant 3 : i32
    %broadcast_in_dim3A_274 = vector.broadcast %broadcast_in_dim3A_273 : i32 to vector<16xi32>
    %eq3A_275 = arith.cmpi eq, %iota3A, %broadcast_in_dim3A_274 : vector<16xi32>
    %mul3A_276 = arith.mulf %get3A_57, %sub3A_272 : vector<16xf32>
    %broadcast_in_dim3A_277 = arith.constant 8 : i32
    %broadcast_in_dim3A_278 = vector.broadcast %broadcast_in_dim3A_277 : i32 to vector<16xi32>
    %xor3A_279 = arith.xori %iota3A, %broadcast_in_dim3A_278 : vector<16xi32>
    %broadcast_in_dim3A_280 = vector.shape_cast %xor3A_279 : vector<16xi32> to vector<16x1xi32>
    %gather3A_281 = vector.shape_cast %broadcast_in_dim3A_280 : vector<16x1xi32> to vector<16xi32>
    %gather3A_282 = tpu.dynamic_gather %mul3A_276[%gather3A_281] in [0] : vector<16xf32>, vector<16xi32> -> vector<16xf32>
    %add3A_283 = arith.addf %mul3A_276, %gather3A_282 : vector<16xf32>
    %broadcast_in_dim3A_284 = arith.constant 4 : i32
    %broadcast_in_dim3A_285 = vector.broadcast %broadcast_in_dim3A_284 : i32 to vector<16xi32>
    %xor3A_286 = arith.xori %iota3A, %broadcast_in_dim3A_285 : vector<16xi32>
    %broadcast_in_dim3A_287 = vector.shape_cast %xor3A_286 : vector<16xi32> to vector<16x1xi32>
    %gather3A_288 = vector.shape_cast %broadcast_in_dim3A_287 : vector<16x1xi32> to vector<16xi32>
    %gather3A_289 = tpu.dynamic_gather %add3A_283[%gather3A_288] in [0] : vector<16xf32>, vector<16xi32> -> vector<16xf32>
    %add3A_290 = arith.addf %add3A_283, %gather3A_289 : vector<16xf32>
    %broadcast_in_dim3A_291 = arith.constant 2 : i32
    %broadcast_in_dim3A_292 = vector.broadcast %broadcast_in_dim3A_291 : i32 to vector<16xi32>
    %xor3A_293 = arith.xori %iota3A, %broadcast_in_dim3A_292 : vector<16xi32>
    %broadcast_in_dim3A_294 = vector.shape_cast %xor3A_293 : vector<16xi32> to vector<16x1xi32>
    %gather3A_295 = vector.shape_cast %broadcast_in_dim3A_294 : vector<16x1xi32> to vector<16xi32>
    %gather3A_296 = tpu.dynamic_gather %add3A_290[%gather3A_295] in [0] : vector<16xf32>, vector<16xi32> -> vector<16xf32>
    %add3A_297 = arith.addf %add3A_290, %gather3A_296 : vector<16xf32>
    %broadcast_in_dim3A_298 = arith.constant 1 : i32
    %broadcast_in_dim3A_299 = vector.broadcast %broadcast_in_dim3A_298 : i32 to vector<16xi32>
    %xor3A_300 = arith.xori %iota3A, %broadcast_in_dim3A_299 : vector<16xi32>
    %broadcast_in_dim3A_301 = vector.shape_cast %xor3A_300 : vector<16xi32> to vector<16x1xi32>
    %gather3A_302 = vector.shape_cast %broadcast_in_dim3A_301 : vector<16x1xi32> to vector<16xi32>
    %gather3A_303 = tpu.dynamic_gather %add3A_297[%gather3A_302] in [0] : vector<16xf32>, vector<16xi32> -> vector<16xf32>
    %add3A_304 = arith.addf %add3A_297, %gather3A_303 : vector<16xf32>
    %select_n3A_305 = arith.select %eq3A_275, %add3A_304, %select_n3A_234 : vector<16xi1>, vector<16xf32>
    %eq3A_306 = arith.cmpi eq, %iota3A, %broadcast_in_dim3A_274 : vector<16xi32>
    %mul3A_307 = arith.mulf %get3A_59, %sub3A_272 : vector<16xf32>
    %broadcast_in_dim3A_308 = arith.constant 8 : i32
    %broadcast_in_dim3A_309 = vector.broadcast %broadcast_in_dim3A_308 : i32 to vector<16xi32>
    %xor3A_310 = arith.xori %iota3A, %broadcast_in_dim3A_309 : vector<16xi32>
    %broadcast_in_dim3A_311 = vector.shape_cast %xor3A_310 : vector<16xi32> to vector<16x1xi32>
    %gather3A_312 = vector.shape_cast %broadcast_in_dim3A_311 : vector<16x1xi32> to vector<16xi32>
    %gather3A_313 = tpu.dynamic_gather %mul3A_307[%gather3A_312] in [0] : vector<16xf32>, vector<16xi32> -> vector<16xf32>
    %add3A_314 = arith.addf %mul3A_307, %gather3A_313 : vector<16xf32>
    %broadcast_in_dim3A_315 = arith.constant 4 : i32
    %broadcast_in_dim3A_316 = vector.broadcast %broadcast_in_dim3A_315 : i32 to vector<16xi32>
    %xor3A_317 = arith.xori %iota3A, %broadcast_in_dim3A_316 : vector<16xi32>
    %broadcast_in_dim3A_318 = vector.shape_cast %xor3A_317 : vector<16xi32> to vector<16x1xi32>
    %gather3A_319 = vector.shape_cast %broadcast_in_dim3A_318 : vector<16x1xi32> to vector<16xi32>
    %gather3A_320 = tpu.dynamic_gather %add3A_314[%gather3A_319] in [0] : vector<16xf32>, vector<16xi32> -> vector<16xf32>
    %add3A_321 = arith.addf %add3A_314, %gather3A_320 : vector<16xf32>
    %broadcast_in_dim3A_322 = arith.constant 2 : i32
    %broadcast_in_dim3A_323 = vector.broadcast %broadcast_in_dim3A_322 : i32 to vector<16xi32>
    %xor3A_324 = arith.xori %iota3A, %broadcast_in_dim3A_323 : vector<16xi32>
    %broadcast_in_dim3A_325 = vector.shape_cast %xor3A_324 : vector<16xi32> to vector<16x1xi32>
    %gather3A_326 = vector.shape_cast %broadcast_in_dim3A_325 : vector<16x1xi32> to vector<16xi32>
    %gather3A_327 = tpu.dynamic_gather %add3A_321[%gather3A_326] in [0] : vector<16xf32>, vector<16xi32> -> vector<16xf32>
    %add3A_328 = arith.addf %add3A_321, %gather3A_327 : vector<16xf32>
    %broadcast_in_dim3A_329 = arith.constant 1 : i32
    %broadcast_in_dim3A_330 = vector.broadcast %broadcast_in_dim3A_329 : i32 to vector<16xi32>
    %xor3A_331 = arith.xori %iota3A, %broadcast_in_dim3A_330 : vector<16xi32>
    %broadcast_in_dim3A_332 = vector.shape_cast %xor3A_331 : vector<16xi32> to vector<16x1xi32>
    %gather3A_333 = vector.shape_cast %broadcast_in_dim3A_332 : vector<16x1xi32> to vector<16xi32>
    %gather3A_334 = tpu.dynamic_gather %add3A_328[%gather3A_333] in [0] : vector<16xf32>, vector<16xi32> -> vector<16xf32>
    %add3A_335 = arith.addf %add3A_328, %gather3A_334 : vector<16xf32>
    %select_n3A_336 = arith.select %eq3A_306, %add3A_335, %select_n3A_265 : vector<16xi1>, vector<16xf32>
    %get3A_337 = arith.constant 64 : index
    %get3A_338 = tpu.vector_load %arg16[%get3A_337] {strides = array<i32>} : memref<128xf32, #tpu.memory_space<vmem>>, vector<16xf32>,
    %mul3A_339 = arith.mulf %get3A_338, %broadcast_in_dim3A_50 : vector<16xf32>
    %exp3A_340 = math.exp %mul3A_339 : vector<16xf32>
    %add3A_341 = arith.addf %exp3A_340, %broadcast_in_dim3A_48 : vector<16xf32>
    %div3A_342 = arith.divf %broadcast_in_dim3A_50, %add3A_341 : vector<16xf32>
    %sub3A_343 = arith.subf %broadcast_in_dim3A_48, %div3A_342 : vector<16xf32>
    %broadcast_in_dim3A_344 = arith.constant 4 : i32
    %broadcast_in_dim3A_345 = vector.broadcast %broadcast_in_dim3A_344 : i32 to vector<16xi32>
    %eq3A_346 = arith.cmpi eq, %iota3A, %broadcast_in_dim3A_345 : vector<16xi32>
    %mul3A_347 = arith.mulf %get3A_57, %sub3A_343 : vector<16xf32>
    %broadcast_in_dim3A_348 = arith.constant 8 : i32
    %broadcast_in_dim3A_349 = vector.broadcast %broadcast_in_dim3A_348 : i32 to vector<16xi32>
    %xor3A_350 = arith.xori %iota3A, %broadcast_in_dim3A_349 : vector<16xi32>
    %broadcast_in_dim3A_351 = vector.shape_cast %xor3A_350 : vector<16xi32> to vector<16x1xi32>
    %gather3A_352 = vector.shape_cast %broadcast_in_dim3A_351 : vector<16x1xi32> to vector<16xi32>
    %gather3A_353 = tpu.dynamic_gather %mul3A_347[%gather3A_352] in [0] : vector<16xf32>, vector<16xi32> -> vector<16xf32>
    %add3A_354 = arith.addf %mul3A_347, %gather3A_353 : vector<16xf32>
    %broadcast_in_dim3A_355 = arith.constant 4 : i32
    %broadcast_in_dim3A_356 = vector.broadcast %broadcast_in_dim3A_355 : i32 to vector<16xi32>
    %xor3A_357 = arith.xori %iota3A, %broadcast_in_dim3A_356 : vector<16xi32>
    %broadcast_in_dim3A_358 = vector.shape_cast %xor3A_357 : vector<16xi32> to vector<16x1xi32>
    %gather3A_359 = vector.shape_cast %broadcast_in_dim3A_358 : vector<16x1xi32> to vector<16xi32>
    %gather3A_360 = tpu.dynamic_gather %add3A_354[%gather3A_359] in [0] : vector<16xf32>, vector<16xi32> -> vector<16xf32>
    %add3A_361 = arith.addf %add3A_354, %gather3A_360 : vector<16xf32>
    %broadcast_in_dim3A_362 = arith.constant 2 : i32
    %broadcast_in_dim3A_363 = vector.broadcast %broadcast_in_dim3A_362 : i32 to vector<16xi32>
    %xor3A_364 = arith.xori %iota3A, %broadcast_in_dim3A_363 : vector<16xi32>
    %broadcast_in_dim3A_365 = vector.shape_cast %xor3A_364 : vector<16xi32> to vector<16x1xi32>
    %gather3A_366 = vector.shape_cast %broadcast_in_dim3A_365 : vector<16x1xi32> to vector<16xi32>
    %gather3A_367 = tpu.dynamic_gather %add3A_361[%gather3A_366] in [0] : vector<16xf32>, vector<16xi32> -> vector<16xf32>
    %add3A_368 = arith.addf %add3A_361, %gather3A_367 : vector<16xf32>
    %broadcast_in_dim3A_369 = arith.constant 1 : i32
    %broadcast_in_dim3A_370 = vector.broadcast %broadcast_in_dim3A_369 : i32 to vector<16xi32>
    %xor3A_371 = arith.xori %iota3A, %broadcast_in_dim3A_370 : vector<16xi32>
    %broadcast_in_dim3A_372 = vector.shape_cast %xor3A_371 : vector<16xi32> to vector<16x1xi32>
    %gather3A_373 = vector.shape_cast %broadcast_in_dim3A_372 : vector<16x1xi32> to vector<16xi32>
    %gather3A_374 = tpu.dynamic_gather %add3A_368[%gather3A_373] in [0] : vector<16xf32>, vector<16xi32> -> vector<16xf32>
    %add3A_375 = arith.addf %add3A_368, %gather3A_374 : vector<16xf32>
    %select_n3A_376 = arith.select %eq3A_346, %add3A_375, %select_n3A_305 : vector<16xi1>, vector<16xf32>
    %eq3A_377 = arith.cmpi eq, %iota3A, %broadcast_in_dim3A_345 : vector<16xi32>
    %mul3A_378 = arith.mulf %get3A_59, %sub3A_343 : vector<16xf32>
    %broadcast_in_dim3A_379 = arith.constant 8 : i32
    %broadcast_in_dim3A_380 = vector.broadcast %broadcast_in_dim3A_379 : i32 to vector<16xi32>
    %xor3A_381 = arith.xori %iota3A, %broadcast_in_dim3A_380 : vector<16xi32>
    %broadcast_in_dim3A_382 = vector.shape_cast %xor3A_381 : vector<16xi32> to vector<16x1xi32>
    %gather3A_383 = vector.shape_cast %broadcast_in_dim3A_382 : vector<16x1xi32> to vector<16xi32>
    %gather3A_384 = tpu.dynamic_gather %mul3A_378[%gather3A_383] in [0] : vector<16xf32>, vector<16xi32> -> vector<16xf32>
    %add3A_385 = arith.addf %mul3A_378, %gather3A_384 : vector<16xf32>
    %broadcast_in_dim3A_386 = arith.constant 4 : i32
    %broadcast_in_dim3A_387 = vector.broadcast %broadcast_in_dim3A_386 : i32 to vector<16xi32>
    %xor3A_388 = arith.xori %iota3A, %broadcast_in_dim3A_387 : vector<16xi32>
    %broadcast_in_dim3A_389 = vector.shape_cast %xor3A_388 : vector<16xi32> to vector<16x1xi32>
    %gather3A_390 = vector.shape_cast %broadcast_in_dim3A_389 : vector<16x1xi32> to vector<16xi32>
    %gather3A_391 = tpu.dynamic_gather %add3A_385[%gather3A_390] in [0] : vector<16xf32>, vector<16xi32> -> vector<16xf32>
    %add3A_392 = arith.addf %add3A_385, %gather3A_391 : vector<16xf32>
    %broadcast_in_dim3A_393 = arith.constant 2 : i32
    %broadcast_in_dim3A_394 = vector.broadcast %broadcast_in_dim3A_393 : i32 to vector<16xi32>
    %xor3A_395 = arith.xori %iota3A, %broadcast_in_dim3A_394 : vector<16xi32>
    %broadcast_in_dim3A_396 = vector.shape_cast %xor3A_395 : vector<16xi32> to vector<16x1xi32>
    %gather3A_397 = vector.shape_cast %broadcast_in_dim3A_396 : vector<16x1xi32> to vector<16xi32>
    %gather3A_398 = tpu.dynamic_gather %add3A_392[%gather3A_397] in [0] : vector<16xf32>, vector<16xi32> -> vector<16xf32>
    %add3A_399 = arith.addf %add3A_392, %gather3A_398 : vector<16xf32>
    %broadcast_in_dim3A_400 = arith.constant 1 : i32
    %broadcast_in_dim3A_401 = vector.broadcast %broadcast_in_dim3A_400 : i32 to vector<16xi32>
    %xor3A_402 = arith.xori %iota3A, %broadcast_in_dim3A_401 : vector<16xi32>
    %broadcast_in_dim3A_403 = vector.shape_cast %xor3A_402 : vector<16xi32> to vector<16x1xi32>
    %gather3A_404 = vector.shape_cast %broadcast_in_dim3A_403 : vector<16x1xi32> to vector<16xi32>
    %gather3A_405 = tpu.dynamic_gather %add3A_399[%gather3A_404] in [0] : vector<16xf32>, vector<16xi32> -> vector<16xf32>
    %add3A_406 = arith.addf %add3A_399, %gather3A_405 : vector<16xf32>
    %select_n3A_407 = arith.select %eq3A_377, %add3A_406, %select_n3A_336 : vector<16xi1>, vector<16xf32>
    %get3A_408 = arith.constant 80 : index
    %get3A_409 = tpu.vector_load %arg16[%get3A_408] {strides = array<i32>} : memref<128xf32, #tpu.memory_space<vmem>>, vector<16xf32>,
    %mul3A_410 = arith.mulf %get3A_409, %broadcast_in_dim3A_50 : vector<16xf32>
    %exp3A_411 = math.exp %mul3A_410 : vector<16xf32>
    %add3A_412 = arith.addf %exp3A_411, %broadcast_in_dim3A_48 : vector<16xf32>
    %div3A_413 = arith.divf %broadcast_in_dim3A_50, %add3A_412 : vector<16xf32>
    %sub3A_414 = arith.subf %broadcast_in_dim3A_48, %div3A_413 : vector<16xf32>
    %broadcast_in_dim3A_415 = arith.constant 5 : i32
    %broadcast_in_dim3A_416 = vector.broadcast %broadcast_in_dim3A_415 : i32 to vector<16xi32>
    %eq3A_417 = arith.cmpi eq, %iota3A, %broadcast_in_dim3A_416 : vector<16xi32>
    %mul3A_418 = arith.mulf %get3A_57, %sub3A_414 : vector<16xf32>
    %broadcast_in_dim3A_419 = arith.constant 8 : i32
    %broadcast_in_dim3A_420 = vector.broadcast %broadcast_in_dim3A_419 : i32 to vector<16xi32>
    %xor3A_421 = arith.xori %iota3A, %broadcast_in_dim3A_420 : vector<16xi32>
    %broadcast_in_dim3A_422 = vector.shape_cast %xor3A_421 : vector<16xi32> to vector<16x1xi32>
    %gather3A_423 = vector.shape_cast %broadcast_in_dim3A_422 : vector<16x1xi32> to vector<16xi32>
    %gather3A_424 = tpu.dynamic_gather %mul3A_418[%gather3A_423] in [0] : vector<16xf32>, vector<16xi32> -> vector<16xf32>
    %add3A_425 = arith.addf %mul3A_418, %gather3A_424 : vector<16xf32>
    %broadcast_in_dim3A_426 = arith.constant 4 : i32
    %broadcast_in_dim3A_427 = vector.broadcast %broadcast_in_dim3A_426 : i32 to vector<16xi32>
    %xor3A_428 = arith.xori %iota3A, %broadcast_in_dim3A_427 : vector<16xi32>
    %broadcast_in_dim3A_429 = vector.shape_cast %xor3A_428 : vector<16xi32> to vector<16x1xi32>
    %gather3A_430 = vector.shape_cast %broadcast_in_dim3A_429 : vector<16x1xi32> to vector<16xi32>
    %gather3A_431 = tpu.dynamic_gather %add3A_425[%gather3A_430] in [0] : vector<16xf32>, vector<16xi32> -> vector<16xf32>
    %add3A_432 = arith.addf %add3A_425, %gather3A_431 : vector<16xf32>
    %broadcast_in_dim3A_433 = arith.constant 2 : i32
    %broadcast_in_dim3A_434 = vector.broadcast %broadcast_in_dim3A_433 : i32 to vector<16xi32>
    %xor3A_435 = arith.xori %iota3A, %broadcast_in_dim3A_434 : vector<16xi32>
    %broadcast_in_dim3A_436 = vector.shape_cast %xor3A_435 : vector<16xi32> to vector<16x1xi32>
    %gather3A_437 = vector.shape_cast %broadcast_in_dim3A_436 : vector<16x1xi32> to vector<16xi32>
    %gather3A_438 = tpu.dynamic_gather %add3A_432[%gather3A_437] in [0] : vector<16xf32>, vector<16xi32> -> vector<16xf32>
    %add3A_439 = arith.addf %add3A_432, %gather3A_438 : vector<16xf32>
    %broadcast_in_dim3A_440 = arith.constant 1 : i32
    %broadcast_in_dim3A_441 = vector.broadcast %broadcast_in_dim3A_440 : i32 to vector<16xi32>
    %xor3A_442 = arith.xori %iota3A, %broadcast_in_dim3A_441 : vector<16xi32>
    %broadcast_in_dim3A_443 = vector.shape_cast %xor3A_442 : vector<16xi32> to vector<16x1xi32>
    %gather3A_444 = vector.shape_cast %broadcast_in_dim3A_443 : vector<16x1xi32> to vector<16xi32>
    %gather3A_445 = tpu.dynamic_gather %add3A_439[%gather3A_444] in [0] : vector<16xf32>, vector<16xi32> -> vector<16xf32>
    %add3A_446 = arith.addf %add3A_439, %gather3A_445 : vector<16xf32>
    %select_n3A_447 = arith.select %eq3A_417, %add3A_446, %select_n3A_376 : vector<16xi1>, vector<16xf32>
    %eq3A_448 = arith.cmpi eq, %iota3A, %broadcast_in_dim3A_416 : vector<16xi32>
    %mul3A_449 = arith.mulf %get3A_59, %sub3A_414 : vector<16xf32>
    %broadcast_in_dim3A_450 = arith.constant 8 : i32
    %broadcast_in_dim3A_451 = vector.broadcast %broadcast_in_dim3A_450 : i32 to vector<16xi32>
    %xor3A_452 = arith.xori %iota3A, %broadcast_in_dim3A_451 : vector<16xi32>
    %broadcast_in_dim3A_453 = vector.shape_cast %xor3A_452 : vector<16xi32> to vector<16x1xi32>
    %gather3A_454 = vector.shape_cast %broadcast_in_dim3A_453 : vector<16x1xi32> to vector<16xi32>
    %gather3A_455 = tpu.dynamic_gather %mul3A_449[%gather3A_454] in [0] : vector<16xf32>, vector<16xi32> -> vector<16xf32>
    %add3A_456 = arith.addf %mul3A_449, %gather3A_455 : vector<16xf32>
    %broadcast_in_dim3A_457 = arith.constant 4 : i32
    %broadcast_in_dim3A_458 = vector.broadcast %broadcast_in_dim3A_457 : i32 to vector<16xi32>
    %xor3A_459 = arith.xori %iota3A, %broadcast_in_dim3A_458 : vector<16xi32>
    %broadcast_in_dim3A_460 = vector.shape_cast %xor3A_459 : vector<16xi32> to vector<16x1xi32>
    %gather3A_461 = vector.shape_cast %broadcast_in_dim3A_460 : vector<16x1xi32> to vector<16xi32>
    %gather3A_462 = tpu.dynamic_gather %add3A_456[%gather3A_461] in [0] : vector<16xf32>, vector<16xi32> -> vector<16xf32>
    %add3A_463 = arith.addf %add3A_456, %gather3A_462 : vector<16xf32>
    %broadcast_in_dim3A_464 = arith.constant 2 : i32
    %broadcast_in_dim3A_465 = vector.broadcast %broadcast_in_dim3A_464 : i32 to vector<16xi32>
    %xor3A_466 = arith.xori %iota3A, %broadcast_in_dim3A_465 : vector<16xi32>
    %broadcast_in_dim3A_467 = vector.shape_cast %xor3A_466 : vector<16xi32> to vector<16x1xi32>
    %gather3A_468 = vector.shape_cast %broadcast_in_dim3A_467 : vector<16x1xi32> to vector<16xi32>
    %gather3A_469 = tpu.dynamic_gather %add3A_463[%gather3A_468] in [0] : vector<16xf32>, vector<16xi32> -> vector<16xf32>
    %add3A_470 = arith.addf %add3A_463, %gather3A_469 : vector<16xf32>
    %broadcast_in_dim3A_471 = arith.constant 1 : i32
    %broadcast_in_dim3A_472 = vector.broadcast %broadcast_in_dim3A_471 : i32 to vector<16xi32>
    %xor3A_473 = arith.xori %iota3A, %broadcast_in_dim3A_472 : vector<16xi32>
    %broadcast_in_dim3A_474 = vector.shape_cast %xor3A_473 : vector<16xi32> to vector<16x1xi32>
    %gather3A_475 = vector.shape_cast %broadcast_in_dim3A_474 : vector<16x1xi32> to vector<16xi32>
    %gather3A_476 = tpu.dynamic_gather %add3A_470[%gather3A_475] in [0] : vector<16xf32>, vector<16xi32> -> vector<16xf32>
    %add3A_477 = arith.addf %add3A_470, %gather3A_476 : vector<16xf32>
    %select_n3A_478 = arith.select %eq3A_448, %add3A_477, %select_n3A_407 : vector<16xi1>, vector<16xf32>
    %get3A_479 = arith.constant 96 : index
    %get3A_480 = tpu.vector_load %arg16[%get3A_479] {strides = array<i32>} : memref<128xf32, #tpu.memory_space<vmem>>, vector<16xf32>,
    %mul3A_481 = arith.mulf %get3A_480, %broadcast_in_dim3A_50 : vector<16xf32>
    %exp3A_482 = math.exp %mul3A_481 : vector<16xf32>
    %add3A_483 = arith.addf %exp3A_482, %broadcast_in_dim3A_48 : vector<16xf32>
    %div3A_484 = arith.divf %broadcast_in_dim3A_50, %add3A_483 : vector<16xf32>
    %sub3A_485 = arith.subf %broadcast_in_dim3A_48, %div3A_484 : vector<16xf32>
    %broadcast_in_dim3A_486 = arith.constant 6 : i32
    %broadcast_in_dim3A_487 = vector.broadcast %broadcast_in_dim3A_486 : i32 to vector<16xi32>
    %eq3A_488 = arith.cmpi eq, %iota3A, %broadcast_in_dim3A_487 : vector<16xi32>
    %mul3A_489 = arith.mulf %get3A_57, %sub3A_485 : vector<16xf32>
    %broadcast_in_dim3A_490 = arith.constant 8 : i32
    %broadcast_in_dim3A_491 = vector.broadcast %broadcast_in_dim3A_490 : i32 to vector<16xi32>
    %xor3A_492 = arith.xori %iota3A, %broadcast_in_dim3A_491 : vector<16xi32>
    %broadcast_in_dim3A_493 = vector.shape_cast %xor3A_492 : vector<16xi32> to vector<16x1xi32>
    %gather3A_494 = vector.shape_cast %broadcast_in_dim3A_493 : vector<16x1xi32> to vector<16xi32>
    %gather3A_495 = tpu.dynamic_gather %mul3A_489[%gather3A_494] in [0] : vector<16xf32>, vector<16xi32> -> vector<16xf32>
    %add3A_496 = arith.addf %mul3A_489, %gather3A_495 : vector<16xf32>
    %broadcast_in_dim3A_497 = arith.constant 4 : i32
    %broadcast_in_dim3A_498 = vector.broadcast %broadcast_in_dim3A_497 : i32 to vector<16xi32>
    %xor3A_499 = arith.xori %iota3A, %broadcast_in_dim3A_498 : vector<16xi32>
    %broadcast_in_dim3A_500 = vector.shape_cast %xor3A_499 : vector<16xi32> to vector<16x1xi32>
    %gather3A_501 = vector.shape_cast %broadcast_in_dim3A_500 : vector<16x1xi32> to vector<16xi32>
    %gather3A_502 = tpu.dynamic_gather %add3A_496[%gather3A_501] in [0] : vector<16xf32>, vector<16xi32> -> vector<16xf32>
    %add3A_503 = arith.addf %add3A_496, %gather3A_502 : vector<16xf32>
    %broadcast_in_dim3A_504 = arith.constant 2 : i32
    %broadcast_in_dim3A_505 = vector.broadcast %broadcast_in_dim3A_504 : i32 to vector<16xi32>
    %xor3A_506 = arith.xori %iota3A, %broadcast_in_dim3A_505 : vector<16xi32>
    %broadcast_in_dim3A_507 = vector.shape_cast %xor3A_506 : vector<16xi32> to vector<16x1xi32>
    %gather3A_508 = vector.shape_cast %broadcast_in_dim3A_507 : vector<16x1xi32> to vector<16xi32>
    %gather3A_509 = tpu.dynamic_gather %add3A_503[%gather3A_508] in [0] : vector<16xf32>, vector<16xi32> -> vector<16xf32>
    %add3A_510 = arith.addf %add3A_503, %gather3A_509 : vector<16xf32>
    %broadcast_in_dim3A_511 = arith.constant 1 : i32
    %broadcast_in_dim3A_512 = vector.broadcast %broadcast_in_dim3A_511 : i32 to vector<16xi32>
    %xor3A_513 = arith.xori %iota3A, %broadcast_in_dim3A_512 : vector<16xi32>
    %broadcast_in_dim3A_514 = vector.shape_cast %xor3A_513 : vector<16xi32> to vector<16x1xi32>
    %gather3A_515 = vector.shape_cast %broadcast_in_dim3A_514 : vector<16x1xi32> to vector<16xi32>
    %gather3A_516 = tpu.dynamic_gather %add3A_510[%gather3A_515] in [0] : vector<16xf32>, vector<16xi32> -> vector<16xf32>
    %add3A_517 = arith.addf %add3A_510, %gather3A_516 : vector<16xf32>
    %select_n3A_518 = arith.select %eq3A_488, %add3A_517, %select_n3A_447 : vector<16xi1>, vector<16xf32>
    %eq3A_519 = arith.cmpi eq, %iota3A, %broadcast_in_dim3A_487 : vector<16xi32>
    %mul3A_520 = arith.mulf %get3A_59, %sub3A_485 : vector<16xf32>
    %broadcast_in_dim3A_521 = arith.constant 8 : i32
    %broadcast_in_dim3A_522 = vector.broadcast %broadcast_in_dim3A_521 : i32 to vector<16xi32>
    %xor3A_523 = arith.xori %iota3A, %broadcast_in_dim3A_522 : vector<16xi32>
    %broadcast_in_dim3A_524 = vector.shape_cast %xor3A_523 : vector<16xi32> to vector<16x1xi32>
    %gather3A_525 = vector.shape_cast %broadcast_in_dim3A_524 : vector<16x1xi32> to vector<16xi32>
    %gather3A_526 = tpu.dynamic_gather %mul3A_520[%gather3A_525] in [0] : vector<16xf32>, vector<16xi32> -> vector<16xf32>
    %add3A_527 = arith.addf %mul3A_520, %gather3A_526 : vector<16xf32>
    %broadcast_in_dim3A_528 = arith.constant 4 : i32
    %broadcast_in_dim3A_529 = vector.broadcast %broadcast_in_dim3A_528 : i32 to vector<16xi32>
    %xor3A_530 = arith.xori %iota3A, %broadcast_in_dim3A_529 : vector<16xi32>
    %broadcast_in_dim3A_531 = vector.shape_cast %xor3A_530 : vector<16xi32> to vector<16x1xi32>
    %gather3A_532 = vector.shape_cast %broadcast_in_dim3A_531 : vector<16x1xi32> to vector<16xi32>
    %gather3A_533 = tpu.dynamic_gather %add3A_527[%gather3A_532] in [0] : vector<16xf32>, vector<16xi32> -> vector<16xf32>
    %add3A_534 = arith.addf %add3A_527, %gather3A_533 : vector<16xf32>
    %broadcast_in_dim3A_535 = arith.constant 2 : i32
    %broadcast_in_dim3A_536 = vector.broadcast %broadcast_in_dim3A_535 : i32 to vector<16xi32>
    %xor3A_537 = arith.xori %iota3A, %broadcast_in_dim3A_536 : vector<16xi32>
    %broadcast_in_dim3A_538 = vector.shape_cast %xor3A_537 : vector<16xi32> to vector<16x1xi32>
    %gather3A_539 = vector.shape_cast %broadcast_in_dim3A_538 : vector<16x1xi32> to vector<16xi32>
    %gather3A_540 = tpu.dynamic_gather %add3A_534[%gather3A_539] in [0] : vector<16xf32>, vector<16xi32> -> vector<16xf32>
    %add3A_541 = arith.addf %add3A_534, %gather3A_540 : vector<16xf32>
    %broadcast_in_dim3A_542 = arith.constant 1 : i32
    %broadcast_in_dim3A_543 = vector.broadcast %broadcast_in_dim3A_542 : i32 to vector<16xi32>
    %xor3A_544 = arith.xori %iota3A, %broadcast_in_dim3A_543 : vector<16xi32>
    %broadcast_in_dim3A_545 = vector.shape_cast %xor3A_544 : vector<16xi32> to vector<16x1xi32>
    %gather3A_546 = vector.shape_cast %broadcast_in_dim3A_545 : vector<16x1xi32> to vector<16xi32>
    %gather3A_547 = tpu.dynamic_gather %add3A_541[%gather3A_546] in [0] : vector<16xf32>, vector<16xi32> -> vector<16xf32>
    %add3A_548 = arith.addf %add3A_541, %gather3A_547 : vector<16xf32>
    %select_n3A_549 = arith.select %eq3A_519, %add3A_548, %select_n3A_478 : vector<16xi1>, vector<16xf32>
    %get3A_550 = arith.constant 112 : index
    %get3A_551 = tpu.vector_load %arg16[%get3A_550] {strides = array<i32>} : memref<128xf32, #tpu.memory_space<vmem>>, vector<16xf32>,
    %mul3A_552 = arith.mulf %get3A_551, %broadcast_in_dim3A_50 : vector<16xf32>
    %exp3A_553 = math.exp %mul3A_552 : vector<16xf32>
    %add3A_554 = arith.addf %exp3A_553, %broadcast_in_dim3A_48 : vector<16xf32>
    %div3A_555 = arith.divf %broadcast_in_dim3A_50, %add3A_554 : vector<16xf32>
    %sub3A_556 = arith.subf %broadcast_in_dim3A_48, %div3A_555 : vector<16xf32>
    %broadcast_in_dim3A_557 = arith.constant 7 : i32
    %broadcast_in_dim3A_558 = vector.broadcast %broadcast_in_dim3A_557 : i32 to vector<16xi32>
    %eq3A_559 = arith.cmpi eq, %iota3A, %broadcast_in_dim3A_558 : vector<16xi32>
    %mul3A_560 = arith.mulf %get3A_57, %sub3A_556 : vector<16xf32>
    %broadcast_in_dim3A_561 = arith.constant 8 : i32
    %broadcast_in_dim3A_562 = vector.broadcast %broadcast_in_dim3A_561 : i32 to vector<16xi32>
    %xor3A_563 = arith.xori %iota3A, %broadcast_in_dim3A_562 : vector<16xi32>
    %broadcast_in_dim3A_564 = vector.shape_cast %xor3A_563 : vector<16xi32> to vector<16x1xi32>
    %gather3A_565 = vector.shape_cast %broadcast_in_dim3A_564 : vector<16x1xi32> to vector<16xi32>
    %gather3A_566 = tpu.dynamic_gather %mul3A_560[%gather3A_565] in [0] : vector<16xf32>, vector<16xi32> -> vector<16xf32>
    %add3A_567 = arith.addf %mul3A_560, %gather3A_566 : vector<16xf32>
    %broadcast_in_dim3A_568 = arith.constant 4 : i32
    %broadcast_in_dim3A_569 = vector.broadcast %broadcast_in_dim3A_568 : i32 to vector<16xi32>
    %xor3A_570 = arith.xori %iota3A, %broadcast_in_dim3A_569 : vector<16xi32>
    %broadcast_in_dim3A_571 = vector.shape_cast %xor3A_570 : vector<16xi32> to vector<16x1xi32>
    %gather3A_572 = vector.shape_cast %broadcast_in_dim3A_571 : vector<16x1xi32> to vector<16xi32>
    %gather3A_573 = tpu.dynamic_gather %add3A_567[%gather3A_572] in [0] : vector<16xf32>, vector<16xi32> -> vector<16xf32>
    %add3A_574 = arith.addf %add3A_567, %gather3A_573 : vector<16xf32>
    %broadcast_in_dim3A_575 = arith.constant 2 : i32
    %broadcast_in_dim3A_576 = vector.broadcast %broadcast_in_dim3A_575 : i32 to vector<16xi32>
    %xor3A_577 = arith.xori %iota3A, %broadcast_in_dim3A_576 : vector<16xi32>
    %broadcast_in_dim3A_578 = vector.shape_cast %xor3A_577 : vector<16xi32> to vector<16x1xi32>
    %gather3A_579 = vector.shape_cast %broadcast_in_dim3A_578 : vector<16x1xi32> to vector<16xi32>
    %gather3A_580 = tpu.dynamic_gather %add3A_574[%gather3A_579] in [0] : vector<16xf32>, vector<16xi32> -> vector<16xf32>
    %add3A_581 = arith.addf %add3A_574, %gather3A_580 : vector<16xf32>
    %broadcast_in_dim3A_582 = arith.constant 1 : i32
    %broadcast_in_dim3A_583 = vector.broadcast %broadcast_in_dim3A_582 : i32 to vector<16xi32>
    %xor3A_584 = arith.xori %iota3A, %broadcast_in_dim3A_583 : vector<16xi32>
    %broadcast_in_dim3A_585 = vector.shape_cast %xor3A_584 : vector<16xi32> to vector<16x1xi32>
    %gather3A_586 = vector.shape_cast %broadcast_in_dim3A_585 : vector<16x1xi32> to vector<16xi32>
    %gather3A_587 = tpu.dynamic_gather %add3A_581[%gather3A_586] in [0] : vector<16xf32>, vector<16xi32> -> vector<16xf32>
    %add3A_588 = arith.addf %add3A_581, %gather3A_587 : vector<16xf32>
    %select_n3A_589 = arith.select %eq3A_559, %add3A_588, %select_n3A_518 : vector<16xi1>, vector<16xf32>
    %eq3A_590 = arith.cmpi eq, %iota3A, %broadcast_in_dim3A_558 : vector<16xi32>
    %mul3A_591 = arith.mulf %get3A_59, %sub3A_556 : vector<16xf32>
    %broadcast_in_dim3A_592 = arith.constant 8 : i32
    %broadcast_in_dim3A_593 = vector.broadcast %broadcast_in_dim3A_592 : i32 to vector<16xi32>
    %xor3A_594 = arith.xori %iota3A, %broadcast_in_dim3A_593 : vector<16xi32>
    %broadcast_in_dim3A_595 = vector.shape_cast %xor3A_594 : vector<16xi32> to vector<16x1xi32>
    %gather3A_596 = vector.shape_cast %broadcast_in_dim3A_595 : vector<16x1xi32> to vector<16xi32>
    %gather3A_597 = tpu.dynamic_gather %mul3A_591[%gather3A_596] in [0] : vector<16xf32>, vector<16xi32> -> vector<16xf32>
    %add3A_598 = arith.addf %mul3A_591, %gather3A_597 : vector<16xf32>
    %broadcast_in_dim3A_599 = arith.constant 4 : i32
    %broadcast_in_dim3A_600 = vector.broadcast %broadcast_in_dim3A_599 : i32 to vector<16xi32>
    %xor3A_601 = arith.xori %iota3A, %broadcast_in_dim3A_600 : vector<16xi32>
    %broadcast_in_dim3A_602 = vector.shape_cast %xor3A_601 : vector<16xi32> to vector<16x1xi32>
    %gather3A_603 = vector.shape_cast %broadcast_in_dim3A_602 : vector<16x1xi32> to vector<16xi32>
    %gather3A_604 = tpu.dynamic_gather %add3A_598[%gather3A_603] in [0] : vector<16xf32>, vector<16xi32> -> vector<16xf32>
    %add3A_605 = arith.addf %add3A_598, %gather3A_604 : vector<16xf32>
    %broadcast_in_dim3A_606 = arith.constant 2 : i32
    %broadcast_in_dim3A_607 = vector.broadcast %broadcast_in_dim3A_606 : i32 to vector<16xi32>
    %xor3A_608 = arith.xori %iota3A, %broadcast_in_dim3A_607 : vector<16xi32>
    %broadcast_in_dim3A_609 = vector.shape_cast %xor3A_608 : vector<16xi32> to vector<16x1xi32>
    %gather3A_610 = vector.shape_cast %broadcast_in_dim3A_609 : vector<16x1xi32> to vector<16xi32>
    %gather3A_611 = tpu.dynamic_gather %add3A_605[%gather3A_610] in [0] : vector<16xf32>, vector<16xi32> -> vector<16xf32>
    %add3A_612 = arith.addf %add3A_605, %gather3A_611 : vector<16xf32>
    %broadcast_in_dim3A_613 = arith.constant 1 : i32
    %broadcast_in_dim3A_614 = vector.broadcast %broadcast_in_dim3A_613 : i32 to vector<16xi32>
    %xor3A_615 = arith.xori %iota3A, %broadcast_in_dim3A_614 : vector<16xi32>
    %broadcast_in_dim3A_616 = vector.shape_cast %xor3A_615 : vector<16xi32> to vector<16x1xi32>
    %gather3A_617 = vector.shape_cast %broadcast_in_dim3A_616 : vector<16x1xi32> to vector<16xi32>
    %gather3A_618 = tpu.dynamic_gather %add3A_612[%gather3A_617] in [0] : vector<16xf32>, vector<16xi32> -> vector<16xf32>
    %add3A_619 = arith.addf %add3A_612, %gather3A_618 : vector<16xf32>
    %select_n3A_620 = arith.select %eq3A_590, %add3A_619, %select_n3A_549 : vector<16xi1>, vector<16xf32>
    %broadcast_in_dim3A_621 = arith.constant 8 : i32
    %broadcast_in_dim3A_622 = vector.broadcast %broadcast_in_dim3A_621 : i32 to vector<16xi32>
    %xor3A_623 = arith.xori %iota3A, %broadcast_in_dim3A_622 : vector<16xi32>
    %broadcast_in_dim3A_624 = vector.shape_cast %xor3A_623 : vector<16xi32> to vector<16x1xi32>
    %gather3A_625 = vector.shape_cast %broadcast_in_dim3A_624 : vector<16x1xi32> to vector<16xi32>
    %gather3A_626 = tpu.dynamic_gather %select_n3A_589[%gather3A_625] in [0] : vector<16xf32>, vector<16xi32> -> vector<16xf32>
    %max3A = arith.maximumf %select_n3A_589, %gather3A_626 : vector<16xf32>
    %broadcast_in_dim3A_627 = arith.constant 4 : i32
    %broadcast_in_dim3A_628 = vector.broadcast %broadcast_in_dim3A_627 : i32 to vector<16xi32>
    %xor3A_629 = arith.xori %iota3A, %broadcast_in_dim3A_628 : vector<16xi32>
    %broadcast_in_dim3A_630 = vector.shape_cast %xor3A_629 : vector<16xi32> to vector<16x1xi32>
    %gather3A_631 = vector.shape_cast %broadcast_in_dim3A_630 : vector<16x1xi32> to vector<16xi32>
    %gather3A_632 = tpu.dynamic_gather %max3A[%gather3A_631] in [0] : vector<16xf32>, vector<16xi32> -> vector<16xf32>
    %max3A_633 = arith.maximumf %max3A, %gather3A_632 : vector<16xf32>
    %broadcast_in_dim3A_634 = arith.constant 2 : i32
    %broadcast_in_dim3A_635 = vector.broadcast %broadcast_in_dim3A_634 : i32 to vector<16xi32>
    %xor3A_636 = arith.xori %iota3A, %broadcast_in_dim3A_635 : vector<16xi32>
    %broadcast_in_dim3A_637 = vector.shape_cast %xor3A_636 : vector<16xi32> to vector<16x1xi32>
    %gather3A_638 = vector.shape_cast %broadcast_in_dim3A_637 : vector<16x1xi32> to vector<16xi32>
    %gather3A_639 = tpu.dynamic_gather %max3A_633[%gather3A_638] in [0] : vector<16xf32>, vector<16xi32> -> vector<16xf32>
    %max3A_640 = arith.maximumf %max3A_633, %gather3A_639 : vector<16xf32>
    %broadcast_in_dim3A_641 = arith.constant 1 : i32
    %broadcast_in_dim3A_642 = vector.broadcast %broadcast_in_dim3A_641 : i32 to vector<16xi32>
    %xor3A_643 = arith.xori %iota3A, %broadcast_in_dim3A_642 : vector<16xi32>
    %broadcast_in_dim3A_644 = vector.shape_cast %xor3A_643 : vector<16xi32> to vector<16x1xi32>
    %gather3A_645 = vector.shape_cast %broadcast_in_dim3A_644 : vector<16x1xi32> to vector<16xi32>
    %gather3A_646 = tpu.dynamic_gather %max3A_640[%gather3A_645] in [0] : vector<16xf32>, vector<16xi32> -> vector<16xf32>
    %max3A_647 = arith.maximumf %max3A_640, %gather3A_646 : vector<16xf32>
    %eq3A_648 = arith.cmpf oeq, %select_n3A_589, %max3A_647 : vector<16xf32>
    %all_reduce_ffs3A = tpu.all_reduce %eq3A_648 {dim = 0 : i64, kind = #tpu.reduction_kind<find_first_set>} : vector<16xi1> -> vector<16xi32>
    %broadcast_in_dim3A_649 = arith.constant 8 : i32
    %broadcast_in_dim3A_650 = vector.broadcast %broadcast_in_dim3A_649 : i32 to vector<16xi32>
    %xor3A_651 = arith.xori %iota3A, %broadcast_in_dim3A_650 : vector<16xi32>
    %broadcast_in_dim3A_652 = vector.shape_cast %xor3A_651 : vector<16xi32> to vector<16x1xi32>
    %gather3A_653 = vector.shape_cast %broadcast_in_dim3A_652 : vector<16x1xi32> to vector<16xi32>
    %gather3A_654 = tpu.dynamic_gather %select_n3A_620[%gather3A_653] in [0] : vector<16xf32>, vector<16xi32> -> vector<16xf32>
    %max3A_655 = arith.maximumf %select_n3A_620, %gather3A_654 : vector<16xf32>
    %broadcast_in_dim3A_656 = arith.constant 4 : i32
    %broadcast_in_dim3A_657 = vector.broadcast %broadcast_in_dim3A_656 : i32 to vector<16xi32>
    %xor3A_658 = arith.xori %iota3A, %broadcast_in_dim3A_657 : vector<16xi32>
    %broadcast_in_dim3A_659 = vector.shape_cast %xor3A_658 : vector<16xi32> to vector<16x1xi32>
    %gather3A_660 = vector.shape_cast %broadcast_in_dim3A_659 : vector<16x1xi32> to vector<16xi32>
    %gather3A_661 = tpu.dynamic_gather %max3A_655[%gather3A_660] in [0] : vector<16xf32>, vector<16xi32> -> vector<16xf32>
    %max3A_662 = arith.maximumf %max3A_655, %gather3A_661 : vector<16xf32>
    %broadcast_in_dim3A_663 = arith.constant 2 : i32
    %broadcast_in_dim3A_664 = vector.broadcast %broadcast_in_dim3A_663 : i32 to vector<16xi32>
    %xor3A_665 = arith.xori %iota3A, %broadcast_in_dim3A_664 : vector<16xi32>
    %broadcast_in_dim3A_666 = vector.shape_cast %xor3A_665 : vector<16xi32> to vector<16x1xi32>
    %gather3A_667 = vector.shape_cast %broadcast_in_dim3A_666 : vector<16x1xi32> to vector<16xi32>
    %gather3A_668 = tpu.dynamic_gather %max3A_662[%gather3A_667] in [0] : vector<16xf32>, vector<16xi32> -> vector<16xf32>
    %max3A_669 = arith.maximumf %max3A_662, %gather3A_668 : vector<16xf32>
    %broadcast_in_dim3A_670 = arith.constant 1 : i32
    %broadcast_in_dim3A_671 = vector.broadcast %broadcast_in_dim3A_670 : i32 to vector<16xi32>
    %xor3A_672 = arith.xori %iota3A, %broadcast_in_dim3A_671 : vector<16xi32>
    %broadcast_in_dim3A_673 = vector.shape_cast %xor3A_672 : vector<16xi32> to vector<16x1xi32>
    %gather3A_674 = vector.shape_cast %broadcast_in_dim3A_673 : vector<16x1xi32> to vector<16xi32>
    %gather3A_675 = tpu.dynamic_gather %max3A_669[%gather3A_674] in [0] : vector<16xf32>, vector<16xi32> -> vector<16xf32>
    %max3A_676 = arith.maximumf %max3A_669, %gather3A_675 : vector<16xf32>
    %eq3A_677 = arith.cmpf oeq, %select_n3A_620, %max3A_676 : vector<16xf32>
    %all_reduce_ffs3A_678 = tpu.all_reduce %eq3A_677 {dim = 0 : i64, kind = #tpu.reduction_kind<find_first_set>} : vector<16xi1> -> vector<16xi32>
    %dma_wait3A = arith.constant 0 : i32
    %dma_wait3A_679 = tpu.memref_slice %arg3[%dma_wait3A, %mul3A_2] : memref<4x8192xi32, #tpu.memory_space<hbm>> -> memref<4x256xi32, #tpu.memory_space<hbm>>
    %dma_wait3A_680 = arith.constant 0 : i32
    %dma_wait3A_681 = tpu.memref_slice %arg3[%dma_wait3A_680, %mul3A_2] : memref<4x8192xi32, #tpu.memory_space<hbm>> -> memref<4x256xi32, #tpu.memory_space<hbm>>
    tpu.wait_dma2 semaphore(%arg23 : memref<!tpu.dma_semaphore, #tpu.memory_space<semaphore_mem>>) src(%dma_wait3A_681 : memref<4x256xi32, #tpu.memory_space<hbm>>) dst(%arg13 : memref<4x256xi32, #tpu.memory_space<vmem>>)
    %dma_wait3A_682 = arith.constant 0 : i32
    %dma_wait3A_683 = arith.constant 0 : i32
    %dma_wait3A_684 = tpu.memref_slice %arg2[%add3A_6, %dma_wait3A_682, %dma_wait3A_683] : memref<4096x8x2048xf32, #tpu.memory_space<hbm>> -> memref<32x8x128xf32, #tpu.memory_space<hbm>>
    %dma_wait3A_685 = arith.constant 0 : i32
    %dma_wait3A_686 = arith.constant 0 : i32
    %dma_wait3A_687 = tpu.memref_slice %arg2[%add3A_6, %dma_wait3A_685, %dma_wait3A_686] : memref<4096x8x2048xf32, #tpu.memory_space<hbm>> -> memref<32x8x128xf32, #tpu.memory_space<hbm>>
    tpu.wait_dma2 semaphore(%arg20 : memref<!tpu.dma_semaphore, #tpu.memory_space<semaphore_mem>>) src(%dma_wait3A_687 : memref<32x8x128xf32, #tpu.memory_space<hbm>>) dst(%arg10 : memref<32x8x128xf32, #tpu.memory_space<vmem>>)
    %scan3A = arith.constant 0 : i32
    %scan3A_688 = arith.constant 0 : i32
    %scan3A_689 = arith.constant 16 : i32
    %scan3A_690 = arith.addi %scan3A_688, %scan3A_689 : i32
    %scan3A_691 = arith.constant 2 : i32
    scf.for %scan3A_739 = %scan3A_688 to %scan3A_690 step %scan3A_691  : i32 {
      %mul3A_740 = arith.constant 16 : i32
      %mul3A_741 = arith.muli %scan3A_739, %mul3A_740 : i32
      %multiple_of3A = tpu.assume_multiple %mul3A_741, 16 : i32
      %broadcast_in_dim3A_742 = vector.broadcast %multiple_of3A : i32 to vector<16xi32>
      %add3A_743 = arith.addi %broadcast_in_dim3A_742, %iota3A : vector<16xi32>
      %shift_right_logical3A = arith.shrui %add3A_743, %broadcast_in_dim3A_46 : vector<16xi32>
      %and3A = arith.andi %add3A_743, %broadcast_in_dim3A_44 : vector<16xi32>
      %gather3A_744 = tpu.vector_load_idx %arg10[%shift_right_logical3A, %and3A, %broadcast_in_dim3A_38] : memref<32x8x128xf32, #tpu.memory_space<vmem>>[vector<16xi32>, vector<16xi32>, vector<16xi32>], vector<16xf32>,
      %gather3A_745 = tpu.vector_load_idx %arg10[%shift_right_logical3A, %and3A, %broadcast_in_dim3A_36] : memref<32x8x128xf32, #tpu.memory_space<vmem>>[vector<16xi32>, vector<16xi32>, vector<16xi32>], vector<16xf32>,
      %get3A_746 = arith.constant 0 : i32
      %get3A_747 = arith.index_cast %get3A_746 : i32 to index
      %get3A_748 = arith.index_cast %multiple_of3A : i32 to index
      %get3A_749 = tpu.vector_load %arg13[%get3A_747, %get3A_748] {strides = array<i32>} : memref<4x256xi32, #tpu.memory_space<vmem>>, vector<16xi32>,
      %add3A_750 = arith.addi %get3A_749, %get3A_749 : vector<16xi32>
      %lt3A = arith.cmpi slt, %add3A_750, %get3A_55 : vector<16xi32>
      %select_n3A_751 = arith.select %lt3A, %all_reduce_ffs3A, %all_reduce_ffs3A_678 : vector<16xi1>, vector<16xi32>
      %swap3A = arith.constant 0 : i32
      %swap3A_752 = arith.index_cast %swap3A : i32 to index
      %swap3A_753 = arith.index_cast %multiple_of3A : i32 to index
      %swap3A_754 = tpu.vector_load %arg14[%swap3A_752, %swap3A_753] {strides = array<i32>} : memref<4x256xi32, #tpu.memory_space<vmem>>, vector<16xi32>,
      tpu.vector_store %arg14[%swap3A_752, %swap3A_753], %select_n3A_751 {strides = array<i32>} : memref<4x256xi32, #tpu.memory_space<vmem>>, vector<16xi32>,
      %select_n3A_755 = arith.select %lt3A, %broadcast_in_dim3A_38, %broadcast_in_dim3A_42 : vector<16xi1>, vector<16xi32>
      %gt3A = arith.cmpf ogt, %gather3A_744, %broadcast_in_dim3A_52 : vector<16xf32>
      %select_n3A_756 = arith.select %gt3A, %broadcast_in_dim3A_40, %broadcast_in_dim3A_38 : vector<16xi1>, vector<16xi32>
      %add3A_757 = arith.addi %select_n3A_755, %select_n3A_756 : vector<16xi32>
      %gt3A_758 = arith.cmpf ogt, %gather3A_745, %broadcast_in_dim3A_52 : vector<16xf32>
      %select_n3A_759 = arith.select %gt3A_758, %broadcast_in_dim3A_36, %broadcast_in_dim3A_38 : vector<16xi1>, vector<16xi32>
      %add3A_760 = arith.addi %add3A_757, %select_n3A_759 : vector<16xi32>
      %swap3A_761 = arith.constant 0 : i32
      %swap3A_762 = arith.index_cast %swap3A_761 : i32 to index
      %swap3A_763 = arith.index_cast %multiple_of3A : i32 to index
      %swap3A_764 = tpu.vector_load %arg15[%swap3A_762, %swap3A_763] {strides = array<i32>} : memref<4x256xi32, #tpu.memory_space<vmem>>, vector<16xi32>,
      tpu.vector_store %arg15[%swap3A_762, %swap3A_763], %add3A_760 {strides = array<i32>} : memref<4x256xi32, #tpu.memory_space<vmem>>, vector<16xi32>,
      %scan3A_765 = arith.constant 1 : i32
      %scan3A_766 = arith.addi %scan3A_739, %scan3A_765 : i32
      %mul3A_767 = arith.constant 16 : i32
      %mul3A_768 = arith.muli %scan3A_766, %mul3A_767 : i32
      %multiple_of3A_769 = tpu.assume_multiple %mul3A_768, 16 : i32
      %broadcast_in_dim3A_770 = vector.broadcast %multiple_of3A_769 : i32 to vector<16xi32>
      %add3A_771 = arith.addi %broadcast_in_dim3A_770, %iota3A : vector<16xi32>
      %shift_right_logical3A_772 = arith.shrui %add3A_771, %broadcast_in_dim3A_46 : vector<16xi32>
      %and3A_773 = arith.andi %add3A_771, %broadcast_in_dim3A_44 : vector<16xi32>
      %gather3A_774 = tpu.vector_load_idx %arg10[%shift_right_logical3A_772, %and3A_773, %broadcast_in_dim3A_38] : memref<32x8x128xf32, #tpu.memory_space<vmem>>[vector<16xi32>, vector<16xi32>, vector<16xi32>], vector<16xf32>,
      %gather3A_775 = tpu.vector_load_idx %arg10[%shift_right_logical3A_772, %and3A_773, %broadcast_in_dim3A_36] : memref<32x8x128xf32, #tpu.memory_space<vmem>>[vector<16xi32>, vector<16xi32>, vector<16xi32>], vector<16xf32>,
      %get3A_776 = arith.constant 0 : i32
      %get3A_777 = arith.index_cast %get3A_776 : i32 to index
      %get3A_778 = arith.index_cast %multiple_of3A_769 : i32 to index
      %get3A_779 = tpu.vector_load %arg13[%get3A_777, %get3A_778] {strides = array<i32>} : memref<4x256xi32, #tpu.memory_space<vmem>>, vector<16xi32>,
      %add3A_780 = arith.addi %get3A_779, %get3A_779 : vector<16xi32>
      %lt3A_781 = arith.cmpi slt, %add3A_780, %get3A_55 : vector<16xi32>
      %select_n3A_782 = arith.select %lt3A_781, %all_reduce_ffs3A, %all_reduce_ffs3A_678 : vector<16xi1>, vector<16xi32>
      %swap3A_783 = arith.constant 0 : i32
      %swap3A_784 = arith.index_cast %swap3A_783 : i32 to index
      %swap3A_785 = arith.index_cast %multiple_of3A_769 : i32 to index
      %swap3A_786 = tpu.vector_load %arg14[%swap3A_784, %swap3A_785] {strides = array<i32>} : memref<4x256xi32, #tpu.memory_space<vmem>>, vector<16xi32>,
      tpu.vector_store %arg14[%swap3A_784, %swap3A_785], %select_n3A_782 {strides = array<i32>} : memref<4x256xi32, #tpu.memory_space<vmem>>, vector<16xi32>,
      %select_n3A_787 = arith.select %lt3A_781, %broadcast_in_dim3A_38, %broadcast_in_dim3A_42 : vector<16xi1>, vector<16xi32>
      %gt3A_788 = arith.cmpf ogt, %gather3A_774, %broadcast_in_dim3A_52 : vector<16xf32>
      %select_n3A_789 = arith.select %gt3A_788, %broadcast_in_dim3A_40, %broadcast_in_dim3A_38 : vector<16xi1>, vector<16xi32>
      %add3A_790 = arith.addi %select_n3A_787, %select_n3A_789 : vector<16xi32>
      %gt3A_791 = arith.cmpf ogt, %gather3A_775, %broadcast_in_dim3A_52 : vector<16xf32>
      %select_n3A_792 = arith.select %gt3A_791, %broadcast_in_dim3A_36, %broadcast_in_dim3A_38 : vector<16xi1>, vector<16xi32>
      %add3A_793 = arith.addi %add3A_790, %select_n3A_792 : vector<16xi32>
      %swap3A_794 = arith.constant 0 : i32
      %swap3A_795 = arith.index_cast %swap3A_794 : i32 to index
      %swap3A_796 = arith.index_cast %multiple_of3A_769 : i32 to index
      %swap3A_797 = tpu.vector_load %arg15[%swap3A_795, %swap3A_796] {strides = array<i32>} : memref<4x256xi32, #tpu.memory_space<vmem>>, vector<16xi32>,
      tpu.vector_store %arg15[%swap3A_795, %swap3A_796], %add3A_793 {strides = array<i32>} : memref<4x256xi32, #tpu.memory_space<vmem>>, vector<16xi32>,
    }
    %scan3A_692 = arith.constant 16 : i32
    %mul3A_693 = arith.constant 32 : i32
    %mul3A_694 = arith.muli %add3A, %mul3A_693 : i32
    %add3A_695 = arith.constant 3072 : i32
    %add3A_696 = arith.addi %add3A_695, %mul3A_694 : i32
    %dma_start3A_697 = arith.constant 0 : i32
    %dma_start3A_698 = arith.constant 0 : i32
    %dma_start3A_699 = tpu.memref_slice %arg2[%add3A_696, %dma_start3A_697, %dma_start3A_698] : memref<4096x8x2048xf32, #tpu.memory_space<hbm>> -> memref<32x8x128xf32, #tpu.memory_space<hbm>>
    %dma_start3A_700 = arith.constant 0 : i32
    %dma_start3A_701 = arith.constant 0 : i32
    %dma_start3A_702 = tpu.memref_slice %arg2[%add3A_696, %dma_start3A_700, %dma_start3A_701] : memref<4096x8x2048xf32, #tpu.memory_space<hbm>> -> memref<32x8x128xf32, #tpu.memory_space<hbm>>
    tpu.enqueue_dma source(%dma_start3A_702 : memref<32x8x128xf32, #tpu.memory_space<hbm>>) target(%arg10 : memref<32x8x128xf32, #tpu.memory_space<vmem>>) target_semaphore(%arg20 : memref<!tpu.dma_semaphore, #tpu.memory_space<semaphore_mem>>)
    %dma_wait3A_703 = arith.constant 0 : i32
    %dma_wait3A_704 = arith.constant 0 : i32
    %dma_wait3A_705 = tpu.memref_slice %arg2[%add3A_15, %dma_wait3A_703, %dma_wait3A_704] : memref<4096x8x2048xf32, #tpu.memory_space<hbm>> -> memref<32x8x128xf32, #tpu.memory_space<hbm>>
    %dma_wait3A_706 = arith.constant 0 : i32
    %dma_wait3A_707 = arith.constant 0 : i32
    %dma_wait3A_708 = tpu.memref_slice %arg2[%add3A_15, %dma_wait3A_706, %dma_wait3A_707] : memref<4096x8x2048xf32, #tpu.memory_space<hbm>> -> memref<32x8x128xf32, #tpu.memory_space<hbm>>
    tpu.wait_dma2 semaphore(%arg21 : memref<!tpu.dma_semaphore, #tpu.memory_space<semaphore_mem>>) src(%dma_wait3A_708 : memref<32x8x128xf32, #tpu.memory_space<hbm>>) dst(%arg11 : memref<32x8x128xf32, #tpu.memory_space<vmem>>)
    %scan3A_709 = arith.constant 0 : i32
    %scan3A_710 = arith.constant 0 : i32
    %scan3A_711 = arith.constant 16 : i32
    %scan3A_712 = arith.addi %scan3A_710, %scan3A_711 : i32
    %scan3A_713 = arith.constant 2 : i32
    scf.for %scan3A_739 = %scan3A_710 to %scan3A_712 step %scan3A_713  : i32 {
      %mul3A_740 = arith.constant 16 : i32
      %mul3A_741 = arith.muli %scan3A_739, %mul3A_740 : i32
      %multiple_of3A = tpu.assume_multiple %mul3A_741, 16 : i32
      %broadcast_in_dim3A_742 = vector.broadcast %multiple_of3A : i32 to vector<16xi32>
      %add3A_743 = arith.addi %broadcast_in_dim3A_742, %iota3A : vector<16xi32>
      %shift_right_logical3A = arith.shrui %add3A_743, %broadcast_in_dim3A_46 : vector<16xi32>
      %and3A = arith.andi %add3A_743, %broadcast_in_dim3A_44 : vector<16xi32>
      %gather3A_744 = tpu.vector_load_idx %arg11[%shift_right_logical3A, %and3A, %broadcast_in_dim3A_38] : memref<32x8x128xf32, #tpu.memory_space<vmem>>[vector<16xi32>, vector<16xi32>, vector<16xi32>], vector<16xf32>,
      %gather3A_745 = tpu.vector_load_idx %arg11[%shift_right_logical3A, %and3A, %broadcast_in_dim3A_36] : memref<32x8x128xf32, #tpu.memory_space<vmem>>[vector<16xi32>, vector<16xi32>, vector<16xi32>], vector<16xf32>,
      %get3A_746 = arith.constant 1 : i32
      %get3A_747 = arith.index_cast %get3A_746 : i32 to index
      %get3A_748 = arith.index_cast %multiple_of3A : i32 to index
      %get3A_749 = tpu.vector_load %arg13[%get3A_747, %get3A_748] {strides = array<i32>} : memref<4x256xi32, #tpu.memory_space<vmem>>, vector<16xi32>,
      %add3A_750 = arith.addi %get3A_749, %get3A_749 : vector<16xi32>
      %lt3A = arith.cmpi slt, %add3A_750, %get3A_55 : vector<16xi32>
      %select_n3A_751 = arith.select %lt3A, %all_reduce_ffs3A, %all_reduce_ffs3A_678 : vector<16xi1>, vector<16xi32>
      %swap3A = arith.constant 1 : i32
      %swap3A_752 = arith.index_cast %swap3A : i32 to index
      %swap3A_753 = arith.index_cast %multiple_of3A : i32 to index
      %swap3A_754 = tpu.vector_load %arg14[%swap3A_752, %swap3A_753] {strides = array<i32>} : memref<4x256xi32, #tpu.memory_space<vmem>>, vector<16xi32>,
      tpu.vector_store %arg14[%swap3A_752, %swap3A_753], %select_n3A_751 {strides = array<i32>} : memref<4x256xi32, #tpu.memory_space<vmem>>, vector<16xi32>,
      %select_n3A_755 = arith.select %lt3A, %broadcast_in_dim3A_38, %broadcast_in_dim3A_42 : vector<16xi1>, vector<16xi32>
      %gt3A = arith.cmpf ogt, %gather3A_744, %broadcast_in_dim3A_52 : vector<16xf32>
      %select_n3A_756 = arith.select %gt3A, %broadcast_in_dim3A_40, %broadcast_in_dim3A_38 : vector<16xi1>, vector<16xi32>
      %add3A_757 = arith.addi %select_n3A_755, %select_n3A_756 : vector<16xi32>
      %gt3A_758 = arith.cmpf ogt, %gather3A_745, %broadcast_in_dim3A_52 : vector<16xf32>
      %select_n3A_759 = arith.select %gt3A_758, %broadcast_in_dim3A_36, %broadcast_in_dim3A_38 : vector<16xi1>, vector<16xi32>
      %add3A_760 = arith.addi %add3A_757, %select_n3A_759 : vector<16xi32>
      %swap3A_761 = arith.constant 1 : i32
      %swap3A_762 = arith.index_cast %swap3A_761 : i32 to index
      %swap3A_763 = arith.index_cast %multiple_of3A : i32 to index
      %swap3A_764 = tpu.vector_load %arg15[%swap3A_762, %swap3A_763] {strides = array<i32>} : memref<4x256xi32, #tpu.memory_space<vmem>>, vector<16xi32>,
      tpu.vector_store %arg15[%swap3A_762, %swap3A_763], %add3A_760 {strides = array<i32>} : memref<4x256xi32, #tpu.memory_space<vmem>>, vector<16xi32>,
      %scan3A_765 = arith.constant 1 : i32
      %scan3A_766 = arith.addi %scan3A_739, %scan3A_765 : i32
      %mul3A_767 = arith.constant 16 : i32
      %mul3A_768 = arith.muli %scan3A_766, %mul3A_767 : i32
      %multiple_of3A_769 = tpu.assume_multiple %mul3A_768, 16 : i32
      %broadcast_in_dim3A_770 = vector.broadcast %multiple_of3A_769 : i32 to vector<16xi32>
      %add3A_771 = arith.addi %broadcast_in_dim3A_770, %iota3A : vector<16xi32>
      %shift_right_logical3A_772 = arith.shrui %add3A_771, %broadcast_in_dim3A_46 : vector<16xi32>
      %and3A_773 = arith.andi %add3A_771, %broadcast_in_dim3A_44 : vector<16xi32>
      %gather3A_774 = tpu.vector_load_idx %arg11[%shift_right_logical3A_772, %and3A_773, %broadcast_in_dim3A_38] : memref<32x8x128xf32, #tpu.memory_space<vmem>>[vector<16xi32>, vector<16xi32>, vector<16xi32>], vector<16xf32>,
      %gather3A_775 = tpu.vector_load_idx %arg11[%shift_right_logical3A_772, %and3A_773, %broadcast_in_dim3A_36] : memref<32x8x128xf32, #tpu.memory_space<vmem>>[vector<16xi32>, vector<16xi32>, vector<16xi32>], vector<16xf32>,
      %get3A_776 = arith.constant 1 : i32
      %get3A_777 = arith.index_cast %get3A_776 : i32 to index
      %get3A_778 = arith.index_cast %multiple_of3A_769 : i32 to index
      %get3A_779 = tpu.vector_load %arg13[%get3A_777, %get3A_778] {strides = array<i32>} : memref<4x256xi32, #tpu.memory_space<vmem>>, vector<16xi32>,
      %add3A_780 = arith.addi %get3A_779, %get3A_779 : vector<16xi32>
      %lt3A_781 = arith.cmpi slt, %add3A_780, %get3A_55 : vector<16xi32>
      %select_n3A_782 = arith.select %lt3A_781, %all_reduce_ffs3A, %all_reduce_ffs3A_678 : vector<16xi1>, vector<16xi32>
      %swap3A_783 = arith.constant 1 : i32
      %swap3A_784 = arith.index_cast %swap3A_783 : i32 to index
      %swap3A_785 = arith.index_cast %multiple_of3A_769 : i32 to index
      %swap3A_786 = tpu.vector_load %arg14[%swap3A_784, %swap3A_785] {strides = array<i32>} : memref<4x256xi32, #tpu.memory_space<vmem>>, vector<16xi32>,
      tpu.vector_store %arg14[%swap3A_784, %swap3A_785], %select_n3A_782 {strides = array<i32>} : memref<4x256xi32, #tpu.memory_space<vmem>>, vector<16xi32>,
      %select_n3A_787 = arith.select %lt3A_781, %broadcast_in_dim3A_38, %broadcast_in_dim3A_42 : vector<16xi1>, vector<16xi32>
      %gt3A_788 = arith.cmpf ogt, %gather3A_774, %broadcast_in_dim3A_52 : vector<16xf32>
      %select_n3A_789 = arith.select %gt3A_788, %broadcast_in_dim3A_40, %broadcast_in_dim3A_38 : vector<16xi1>, vector<16xi32>
      %add3A_790 = arith.addi %select_n3A_787, %select_n3A_789 : vector<16xi32>
      %gt3A_791 = arith.cmpf ogt, %gather3A_775, %broadcast_in_dim3A_52 : vector<16xf32>
      %select_n3A_792 = arith.select %gt3A_791, %broadcast_in_dim3A_36, %broadcast_in_dim3A_38 : vector<16xi1>, vector<16xi32>
      %add3A_793 = arith.addi %add3A_790, %select_n3A_792 : vector<16xi32>
      %swap3A_794 = arith.constant 1 : i32
      %swap3A_795 = arith.index_cast %swap3A_794 : i32 to index
      %swap3A_796 = arith.index_cast %multiple_of3A_769 : i32 to index
      %swap3A_797 = tpu.vector_load %arg15[%swap3A_795, %swap3A_796] {strides = array<i32>} : memref<4x256xi32, #tpu.memory_space<vmem>>, vector<16xi32>,
      tpu.vector_store %arg15[%swap3A_795, %swap3A_796], %add3A_793 {strides = array<i32>} : memref<4x256xi32, #tpu.memory_space<vmem>>, vector<16xi32>,
    }
    %scan3A_714 = arith.constant 16 : i32
    %dma_wait3A_715 = arith.constant 0 : i32
    %dma_wait3A_716 = arith.constant 0 : i32
    %dma_wait3A_717 = tpu.memref_slice %arg2[%add3A_25, %dma_wait3A_715, %dma_wait3A_716] : memref<4096x8x2048xf32, #tpu.memory_space<hbm>> -> memref<32x8x128xf32, #tpu.memory_space<hbm>>
    %dma_wait3A_718 = arith.constant 0 : i32
    %dma_wait3A_719 = arith.constant 0 : i32
    %dma_wait3A_720 = tpu.memref_slice %arg2[%add3A_25, %dma_wait3A_718, %dma_wait3A_719] : memref<4096x8x2048xf32, #tpu.memory_space<hbm>> -> memref<32x8x128xf32, #tpu.memory_space<hbm>>
    tpu.wait_dma2 semaphore(%arg22 : memref<!tpu.dma_semaphore, #tpu.memory_space<semaphore_mem>>) src(%dma_wait3A_720 : memref<32x8x128xf32, #tpu.memory_space<hbm>>) dst(%arg12 : memref<32x8x128xf32, #tpu.memory_space<vmem>>)
    %scan3A_721 = arith.constant 0 : i32
    %scan3A_722 = arith.constant 0 : i32
    %scan3A_723 = arith.constant 16 : i32
    %scan3A_724 = arith.addi %scan3A_722, %scan3A_723 : i32
    %scan3A_725 = arith.constant 2 : i32
    scf.for %scan3A_739 = %scan3A_722 to %scan3A_724 step %scan3A_725  : i32 {
      %mul3A_740 = arith.constant 16 : i32
      %mul3A_741 = arith.muli %scan3A_739, %mul3A_740 : i32
      %multiple_of3A = tpu.assume_multiple %mul3A_741, 16 : i32
      %broadcast_in_dim3A_742 = vector.broadcast %multiple_of3A : i32 to vector<16xi32>
      %add3A_743 = arith.addi %broadcast_in_dim3A_742, %iota3A : vector<16xi32>
      %shift_right_logical3A = arith.shrui %add3A_743, %broadcast_in_dim3A_46 : vector<16xi32>
      %and3A = arith.andi %add3A_743, %broadcast_in_dim3A_44 : vector<16xi32>
      %gather3A_744 = tpu.vector_load_idx %arg12[%shift_right_logical3A, %and3A, %broadcast_in_dim3A_38] : memref<32x8x128xf32, #tpu.memory_space<vmem>>[vector<16xi32>, vector<16xi32>, vector<16xi32>], vector<16xf32>,
      %gather3A_745 = tpu.vector_load_idx %arg12[%shift_right_logical3A, %and3A, %broadcast_in_dim3A_36] : memref<32x8x128xf32, #tpu.memory_space<vmem>>[vector<16xi32>, vector<16xi32>, vector<16xi32>], vector<16xf32>,
      %get3A_746 = arith.constant 2 : i32
      %get3A_747 = arith.index_cast %get3A_746 : i32 to index
      %get3A_748 = arith.index_cast %multiple_of3A : i32 to index
      %get3A_749 = tpu.vector_load %arg13[%get3A_747, %get3A_748] {strides = array<i32>} : memref<4x256xi32, #tpu.memory_space<vmem>>, vector<16xi32>,
      %add3A_750 = arith.addi %get3A_749, %get3A_749 : vector<16xi32>
      %lt3A = arith.cmpi slt, %add3A_750, %get3A_55 : vector<16xi32>
      %select_n3A_751 = arith.select %lt3A, %all_reduce_ffs3A, %all_reduce_ffs3A_678 : vector<16xi1>, vector<16xi32>
      %swap3A = arith.constant 2 : i32
      %swap3A_752 = arith.index_cast %swap3A : i32 to index
      %swap3A_753 = arith.index_cast %multiple_of3A : i32 to index
      %swap3A_754 = tpu.vector_load %arg14[%swap3A_752, %swap3A_753] {strides = array<i32>} : memref<4x256xi32, #tpu.memory_space<vmem>>, vector<16xi32>,
      tpu.vector_store %arg14[%swap3A_752, %swap3A_753], %select_n3A_751 {strides = array<i32>} : memref<4x256xi32, #tpu.memory_space<vmem>>, vector<16xi32>,
      %select_n3A_755 = arith.select %lt3A, %broadcast_in_dim3A_38, %broadcast_in_dim3A_42 : vector<16xi1>, vector<16xi32>
      %gt3A = arith.cmpf ogt, %gather3A_744, %broadcast_in_dim3A_52 : vector<16xf32>
      %select_n3A_756 = arith.select %gt3A, %broadcast_in_dim3A_40, %broadcast_in_dim3A_38 : vector<16xi1>, vector<16xi32>
      %add3A_757 = arith.addi %select_n3A_755, %select_n3A_756 : vector<16xi32>
      %gt3A_758 = arith.cmpf ogt, %gather3A_745, %broadcast_in_dim3A_52 : vector<16xf32>
      %select_n3A_759 = arith.select %gt3A_758, %broadcast_in_dim3A_36, %broadcast_in_dim3A_38 : vector<16xi1>, vector<16xi32>
      %add3A_760 = arith.addi %add3A_757, %select_n3A_759 : vector<16xi32>
      %swap3A_761 = arith.constant 2 : i32
      %swap3A_762 = arith.index_cast %swap3A_761 : i32 to index
      %swap3A_763 = arith.index_cast %multiple_of3A : i32 to index
      %swap3A_764 = tpu.vector_load %arg15[%swap3A_762, %swap3A_763] {strides = array<i32>} : memref<4x256xi32, #tpu.memory_space<vmem>>, vector<16xi32>,
      tpu.vector_store %arg15[%swap3A_762, %swap3A_763], %add3A_760 {strides = array<i32>} : memref<4x256xi32, #tpu.memory_space<vmem>>, vector<16xi32>,
      %scan3A_765 = arith.constant 1 : i32
      %scan3A_766 = arith.addi %scan3A_739, %scan3A_765 : i32
      %mul3A_767 = arith.constant 16 : i32
      %mul3A_768 = arith.muli %scan3A_766, %mul3A_767 : i32
      %multiple_of3A_769 = tpu.assume_multiple %mul3A_768, 16 : i32
      %broadcast_in_dim3A_770 = vector.broadcast %multiple_of3A_769 : i32 to vector<16xi32>
      %add3A_771 = arith.addi %broadcast_in_dim3A_770, %iota3A : vector<16xi32>
      %shift_right_logical3A_772 = arith.shrui %add3A_771, %broadcast_in_dim3A_46 : vector<16xi32>
      %and3A_773 = arith.andi %add3A_771, %broadcast_in_dim3A_44 : vector<16xi32>
      %gather3A_774 = tpu.vector_load_idx %arg12[%shift_right_logical3A_772, %and3A_773, %broadcast_in_dim3A_38] : memref<32x8x128xf32, #tpu.memory_space<vmem>>[vector<16xi32>, vector<16xi32>, vector<16xi32>], vector<16xf32>,
      %gather3A_775 = tpu.vector_load_idx %arg12[%shift_right_logical3A_772, %and3A_773, %broadcast_in_dim3A_36] : memref<32x8x128xf32, #tpu.memory_space<vmem>>[vector<16xi32>, vector<16xi32>, vector<16xi32>], vector<16xf32>,
      %get3A_776 = arith.constant 2 : i32
      %get3A_777 = arith.index_cast %get3A_776 : i32 to index
      %get3A_778 = arith.index_cast %multiple_of3A_769 : i32 to index
      %get3A_779 = tpu.vector_load %arg13[%get3A_777, %get3A_778] {strides = array<i32>} : memref<4x256xi32, #tpu.memory_space<vmem>>, vector<16xi32>,
      %add3A_780 = arith.addi %get3A_779, %get3A_779 : vector<16xi32>
      %lt3A_781 = arith.cmpi slt, %add3A_780, %get3A_55 : vector<16xi32>
      %select_n3A_782 = arith.select %lt3A_781, %all_reduce_ffs3A, %all_reduce_ffs3A_678 : vector<16xi1>, vector<16xi32>
      %swap3A_783 = arith.constant 2 : i32
      %swap3A_784 = arith.index_cast %swap3A_783 : i32 to index
      %swap3A_785 = arith.index_cast %multiple_of3A_769 : i32 to index
      %swap3A_786 = tpu.vector_load %arg14[%swap3A_784, %swap3A_785] {strides = array<i32>} : memref<4x256xi32, #tpu.memory_space<vmem>>, vector<16xi32>,
      tpu.vector_store %arg14[%swap3A_784, %swap3A_785], %select_n3A_782 {strides = array<i32>} : memref<4x256xi32, #tpu.memory_space<vmem>>, vector<16xi32>,
      %select_n3A_787 = arith.select %lt3A_781, %broadcast_in_dim3A_38, %broadcast_in_dim3A_42 : vector<16xi1>, vector<16xi32>
      %gt3A_788 = arith.cmpf ogt, %gather3A_774, %broadcast_in_dim3A_52 : vector<16xf32>
      %select_n3A_789 = arith.select %gt3A_788, %broadcast_in_dim3A_40, %broadcast_in_dim3A_38 : vector<16xi1>, vector<16xi32>
      %add3A_790 = arith.addi %select_n3A_787, %select_n3A_789 : vector<16xi32>
      %gt3A_791 = arith.cmpf ogt, %gather3A_775, %broadcast_in_dim3A_52 : vector<16xf32>
      %select_n3A_792 = arith.select %gt3A_791, %broadcast_in_dim3A_36, %broadcast_in_dim3A_38 : vector<16xi1>, vector<16xi32>
      %add3A_793 = arith.addi %add3A_790, %select_n3A_792 : vector<16xi32>
      %swap3A_794 = arith.constant 2 : i32
      %swap3A_795 = arith.index_cast %swap3A_794 : i32 to index
      %swap3A_796 = arith.index_cast %multiple_of3A_769 : i32 to index
      %swap3A_797 = tpu.vector_load %arg15[%swap3A_795, %swap3A_796] {strides = array<i32>} : memref<4x256xi32, #tpu.memory_space<vmem>>, vector<16xi32>,
      tpu.vector_store %arg15[%swap3A_795, %swap3A_796], %add3A_793 {strides = array<i32>} : memref<4x256xi32, #tpu.memory_space<vmem>>, vector<16xi32>,
    }
    %scan3A_726 = arith.constant 16 : i32
    %dma_wait3A_727 = arith.constant 0 : i32
    %dma_wait3A_728 = arith.constant 0 : i32
    %dma_wait3A_729 = tpu.memref_slice %arg2[%add3A_696, %dma_wait3A_727, %dma_wait3A_728] : memref<4096x8x2048xf32, #tpu.memory_space<hbm>> -> memref<32x8x128xf32, #tpu.memory_space<hbm>>
    %dma_wait3A_730 = arith.constant 0 : i32
    %dma_wait3A_731 = arith.constant 0 : i32
    %dma_wait3A_732 = tpu.memref_slice %arg2[%add3A_696, %dma_wait3A_730, %dma_wait3A_731] : memref<4096x8x2048xf32, #tpu.memory_space<hbm>> -> memref<32x8x128xf32, #tpu.memory_space<hbm>>
    tpu.wait_dma2 semaphore(%arg20 : memref<!tpu.dma_semaphore, #tpu.memory_space<semaphore_mem>>) src(%dma_wait3A_732 : memref<32x8x128xf32, #tpu.memory_space<hbm>>) dst(%arg10 : memref<32x8x128xf32, #tpu.memory_space<vmem>>)
    %scan3A_733 = arith.constant 0 : i32
    %scan3A_734 = arith.constant 0 : i32
    %scan3A_735 = arith.constant 16 : i32
    %scan3A_736 = arith.addi %scan3A_734, %scan3A_735 : i32
    %scan3A_737 = arith.constant 2 : i32
    scf.for %scan3A_739 = %scan3A_734 to %scan3A_736 step %scan3A_737  : i32 {
      %mul3A_740 = arith.constant 16 : i32
      %mul3A_741 = arith.muli %scan3A_739, %mul3A_740 : i32
      %multiple_of3A = tpu.assume_multiple %mul3A_741, 16 : i32
      %broadcast_in_dim3A_742 = vector.broadcast %multiple_of3A : i32 to vector<16xi32>
      %add3A_743 = arith.addi %broadcast_in_dim3A_742, %iota3A : vector<16xi32>
      %shift_right_logical3A = arith.shrui %add3A_743, %broadcast_in_dim3A_46 : vector<16xi32>
      %and3A = arith.andi %add3A_743, %broadcast_in_dim3A_44 : vector<16xi32>
      %gather3A_744 = tpu.vector_load_idx %arg10[%shift_right_logical3A, %and3A, %broadcast_in_dim3A_38] : memref<32x8x128xf32, #tpu.memory_space<vmem>>[vector<16xi32>, vector<16xi32>, vector<16xi32>], vector<16xf32>,
      %gather3A_745 = tpu.vector_load_idx %arg10[%shift_right_logical3A, %and3A, %broadcast_in_dim3A_36] : memref<32x8x128xf32, #tpu.memory_space<vmem>>[vector<16xi32>, vector<16xi32>, vector<16xi32>], vector<16xf32>,
      %get3A_746 = arith.constant 3 : i32
      %get3A_747 = arith.index_cast %get3A_746 : i32 to index
      %get3A_748 = arith.index_cast %multiple_of3A : i32 to index
      %get3A_749 = tpu.vector_load %arg13[%get3A_747, %get3A_748] {strides = array<i32>} : memref<4x256xi32, #tpu.memory_space<vmem>>, vector<16xi32>,
      %add3A_750 = arith.addi %get3A_749, %get3A_749 : vector<16xi32>
      %lt3A = arith.cmpi slt, %add3A_750, %get3A_55 : vector<16xi32>
      %select_n3A_751 = arith.select %lt3A, %all_reduce_ffs3A, %all_reduce_ffs3A_678 : vector<16xi1>, vector<16xi32>
      %swap3A = arith.constant 3 : i32
      %swap3A_752 = arith.index_cast %swap3A : i32 to index
      %swap3A_753 = arith.index_cast %multiple_of3A : i32 to index
      %swap3A_754 = tpu.vector_load %arg14[%swap3A_752, %swap3A_753] {strides = array<i32>} : memref<4x256xi32, #tpu.memory_space<vmem>>, vector<16xi32>,
      tpu.vector_store %arg14[%swap3A_752, %swap3A_753], %select_n3A_751 {strides = array<i32>} : memref<4x256xi32, #tpu.memory_space<vmem>>, vector<16xi32>,
      %select_n3A_755 = arith.select %lt3A, %broadcast_in_dim3A_38, %broadcast_in_dim3A_42 : vector<16xi1>, vector<16xi32>
      %gt3A = arith.cmpf ogt, %gather3A_744, %broadcast_in_dim3A_52 : vector<16xf32>
      %select_n3A_756 = arith.select %gt3A, %broadcast_in_dim3A_40, %broadcast_in_dim3A_38 : vector<16xi1>, vector<16xi32>
      %add3A_757 = arith.addi %select_n3A_755, %select_n3A_756 : vector<16xi32>
      %gt3A_758 = arith.cmpf ogt, %gather3A_745, %broadcast_in_dim3A_52 : vector<16xf32>
      %select_n3A_759 = arith.select %gt3A_758, %broadcast_in_dim3A_36, %broadcast_in_dim3A_38 : vector<16xi1>, vector<16xi32>
      %add3A_760 = arith.addi %add3A_757, %select_n3A_759 : vector<16xi32>
      %swap3A_761 = arith.constant 3 : i32
      %swap3A_762 = arith.index_cast %swap3A_761 : i32 to index
      %swap3A_763 = arith.index_cast %multiple_of3A : i32 to index
      %swap3A_764 = tpu.vector_load %arg15[%swap3A_762, %swap3A_763] {strides = array<i32>} : memref<4x256xi32, #tpu.memory_space<vmem>>, vector<16xi32>,
      tpu.vector_store %arg15[%swap3A_762, %swap3A_763], %add3A_760 {strides = array<i32>} : memref<4x256xi32, #tpu.memory_space<vmem>>, vector<16xi32>,
      %scan3A_765 = arith.constant 1 : i32
      %scan3A_766 = arith.addi %scan3A_739, %scan3A_765 : i32
      %mul3A_767 = arith.constant 16 : i32
      %mul3A_768 = arith.muli %scan3A_766, %mul3A_767 : i32
      %multiple_of3A_769 = tpu.assume_multiple %mul3A_768, 16 : i32
      %broadcast_in_dim3A_770 = vector.broadcast %multiple_of3A_769 : i32 to vector<16xi32>
      %add3A_771 = arith.addi %broadcast_in_dim3A_770, %iota3A : vector<16xi32>
      %shift_right_logical3A_772 = arith.shrui %add3A_771, %broadcast_in_dim3A_46 : vector<16xi32>
      %and3A_773 = arith.andi %add3A_771, %broadcast_in_dim3A_44 : vector<16xi32>
      %gather3A_774 = tpu.vector_load_idx %arg10[%shift_right_logical3A_772, %and3A_773, %broadcast_in_dim3A_38] : memref<32x8x128xf32, #tpu.memory_space<vmem>>[vector<16xi32>, vector<16xi32>, vector<16xi32>], vector<16xf32>,
      %gather3A_775 = tpu.vector_load_idx %arg10[%shift_right_logical3A_772, %and3A_773, %broadcast_in_dim3A_36] : memref<32x8x128xf32, #tpu.memory_space<vmem>>[vector<16xi32>, vector<16xi32>, vector<16xi32>], vector<16xf32>,
      %get3A_776 = arith.constant 3 : i32
      %get3A_777 = arith.index_cast %get3A_776 : i32 to index
      %get3A_778 = arith.index_cast %multiple_of3A_769 : i32 to index
      %get3A_779 = tpu.vector_load %arg13[%get3A_777, %get3A_778] {strides = array<i32>} : memref<4x256xi32, #tpu.memory_space<vmem>>, vector<16xi32>,
      %add3A_780 = arith.addi %get3A_779, %get3A_779 : vector<16xi32>
      %lt3A_781 = arith.cmpi slt, %add3A_780, %get3A_55 : vector<16xi32>
      %select_n3A_782 = arith.select %lt3A_781, %all_reduce_ffs3A, %all_reduce_ffs3A_678 : vector<16xi1>, vector<16xi32>
      %swap3A_783 = arith.constant 3 : i32
      %swap3A_784 = arith.index_cast %swap3A_783 : i32 to index
      %swap3A_785 = arith.index_cast %multiple_of3A_769 : i32 to index
      %swap3A_786 = tpu.vector_load %arg14[%swap3A_784, %swap3A_785] {strides = array<i32>} : memref<4x256xi32, #tpu.memory_space<vmem>>, vector<16xi32>,
      tpu.vector_store %arg14[%swap3A_784, %swap3A_785], %select_n3A_782 {strides = array<i32>} : memref<4x256xi32, #tpu.memory_space<vmem>>, vector<16xi32>,
      %select_n3A_787 = arith.select %lt3A_781, %broadcast_in_dim3A_38, %broadcast_in_dim3A_42 : vector<16xi1>, vector<16xi32>
      %gt3A_788 = arith.cmpf ogt, %gather3A_774, %broadcast_in_dim3A_52 : vector<16xf32>
      %select_n3A_789 = arith.select %gt3A_788, %broadcast_in_dim3A_40, %broadcast_in_dim3A_38 : vector<16xi1>, vector<16xi32>
      %add3A_790 = arith.addi %select_n3A_787, %select_n3A_789 : vector<16xi32>
      %gt3A_791 = arith.cmpf ogt, %gather3A_775, %broadcast_in_dim3A_52 : vector<16xf32>
      %select_n3A_792 = arith.select %gt3A_791, %broadcast_in_dim3A_36, %broadcast_in_dim3A_38 : vector<16xi1>, vector<16xi32>
      %add3A_793 = arith.addi %add3A_790, %select_n3A_792 : vector<16xi32>
      %swap3A_794 = arith.constant 3 : i32
      %swap3A_795 = arith.index_cast %swap3A_794 : i32 to index
      %swap3A_796 = arith.index_cast %multiple_of3A_769 : i32 to index
      %swap3A_797 = tpu.vector_load %arg15[%swap3A_795, %swap3A_796] {strides = array<i32>} : memref<4x256xi32, #tpu.memory_space<vmem>>, vector<16xi32>,
      tpu.vector_store %arg15[%swap3A_795, %swap3A_796], %add3A_793 {strides = array<i32>} : memref<4x256xi32, #tpu.memory_space<vmem>>, vector<16xi32>,
    }
    %scan3A_738 = arith.constant 16 : i32
    "tpu.region"() ({
      %run_scoped3A = tpu.sem_alloc : memref<!tpu.dma_semaphore, #tpu.memory_space<semaphore_mem>>
      %dma_start3A_739 = arith.constant 0 : i32
      %dma_start3A_740 = tpu.memref_slice %arg8[%dma_start3A_739, %mul3A_2] : memref<4x8192xi32, #tpu.memory_space<hbm>> -> memref<4x256xi32, #tpu.memory_space<hbm>>
      %dma_start3A_741 = arith.constant 0 : i32
      %dma_start3A_742 = tpu.memref_slice %arg8[%dma_start3A_741, %mul3A_2] : memref<4x8192xi32, #tpu.memory_space<hbm>> -> memref<4x256xi32, #tpu.memory_space<hbm>>
      tpu.enqueue_dma source(%arg14 : memref<4x256xi32, #tpu.memory_space<vmem>>) target(%dma_start3A_742 : memref<4x256xi32, #tpu.memory_space<hbm>>) target_semaphore(%run_scoped3A : memref<!tpu.dma_semaphore, #tpu.memory_space<semaphore_mem>>)
      %dma_wait3A_743 = arith.constant 0 : i32
      %dma_wait3A_744 = tpu.memref_slice %arg8[%dma_wait3A_743, %mul3A_2] : memref<4x8192xi32, #tpu.memory_space<hbm>> -> memref<4x256xi32, #tpu.memory_space<hbm>>
      %dma_wait3A_745 = arith.constant 0 : i32
      %dma_wait3A_746 = tpu.memref_slice %arg8[%dma_wait3A_745, %mul3A_2] : memref<4x8192xi32, #tpu.memory_space<hbm>> -> memref<4x256xi32, #tpu.memory_space<hbm>>
      tpu.wait_dma2 semaphore(%run_scoped3A : memref<!tpu.dma_semaphore, #tpu.memory_space<semaphore_mem>>) src(%arg14 : memref<4x256xi32, #tpu.memory_space<vmem>>) dst(%dma_wait3A_746 : memref<4x256xi32, #tpu.memory_space<hbm>>)
      tpu.yield
    }) : () -> ()
    "tpu.region"() ({
      %run_scoped3A = tpu.sem_alloc : memref<!tpu.dma_semaphore, #tpu.memory_space<semaphore_mem>>
      %dma_start3A_739 = arith.constant 0 : i32
      %dma_start3A_740 = tpu.memref_slice %arg9[%dma_start3A_739, %mul3A_2] : memref<4x8192xi32, #tpu.memory_space<hbm>> -> memref<4x256xi32, #tpu.memory_space<hbm>>
      %dma_start3A_741 = arith.constant 0 : i32
      %dma_start3A_742 = tpu.memref_slice %arg9[%dma_start3A_741, %mul3A_2] : memref<4x8192xi32, #tpu.memory_space<hbm>> -> memref<4x256xi32, #tpu.memory_space<hbm>>
      tpu.enqueue_dma source(%arg15 : memref<4x256xi32, #tpu.memory_space<vmem>>) target(%dma_start3A_742 : memref<4x256xi32, #tpu.memory_space<hbm>>) target_semaphore(%run_scoped3A : memref<!tpu.dma_semaphore, #tpu.memory_space<semaphore_mem>>)
      %dma_wait3A_743 = arith.constant 0 : i32
      %dma_wait3A_744 = tpu.memref_slice %arg9[%dma_wait3A_743, %mul3A_2] : memref<4x8192xi32, #tpu.memory_space<hbm>> -> memref<4x256xi32, #tpu.memory_space<hbm>>
      %dma_wait3A_745 = arith.constant 0 : i32
      %dma_wait3A_746 = tpu.memref_slice %arg9[%dma_wait3A_745, %mul3A_2] : memref<4x8192xi32, #tpu.memory_space<hbm>> -> memref<4x256xi32, #tpu.memory_space<hbm>>
      tpu.wait_dma2 semaphore(%run_scoped3A : memref<!tpu.dma_semaphore, #tpu.memory_space<semaphore_mem>>) src(%arg15 : memref<4x256xi32, #tpu.memory_space<vmem>>) dst(%dma_wait3A_746 : memref<4x256xi32, #tpu.memory_space<hbm>>)
      tpu.yield
    }) : () -> ()
    return
  }
}

</mosaic_0001>

<sc_bundles>
// kernel: kernel.3.cloned.1.call-start
scs
__scs_entry_jumppad:
0x0: {  	(pc) =	sbr.rel $0x88, $3  }
0x1: {  	(tag) =	ssettag $0x0;
	lr =	simm.s32 $0x1  }
0x2: {  	[smem:$0x3F9B] =	sst lr;
	_ =	strace $0xD0000000  }
0x3: {  	_ = 	snop  }
0x4: {  	_ = 	snop  }
0x5: {  	_ = 	snop  }
0x6: {  	_ = 	snop  }
0x7: {  	_ = 	snop  }
__scs_overlays_trampoline_lowered:
0x8: {  	[smem:$0x3FAA] =	sst s0  }
0x9: {  	[smem:$0x3FAB] =	sst s1  }
0xa: {  	[smem:$0x3FAC] =	sst s2  }
0xb: {  	[smem:$0x3FAD] =	sst s3  }
0xc: {  	[smem:$0x3FAE] =	sst s4  }
0xd: {  	[smem:$0x3FAF] =	sst s5  }
0xe: {  	[smem:$0x3FB0] =	sst s6  }
0xf: {  	[smem:$0x3FB1] =	sst s7  }
0x10: {  	[smem:$0x3FB2] =	sst s8  }
0x11: {  	[smem:$0x3FB3] =	sst s9;
	s0 =	simm.s32 @!p0 $0x0  }
0x12: {  	s1 =	sld [smem:$0x3F99];
	s0 =	simm.s32 @p0 $0x1  }
0x13: {  	[smem:$0x3FB4] =	sst s0;
	s0 =	simm.s32 @!p1 $0x0  }
0x14: {  	s2 =	sld [smem:$0x3F98];
	s0 =	simm.s32 @p1 $0x1  }
0x15: {  	[smem:$0x3FB5] =	sst s0;
	s0 =	simm.s32 @!p2 $0x0  }
0x16: {  	s3 =	sld [smem:$0x3FDB];
	s0 =	simm.s32 @p2 $0x1  }
0x17: {  	s4 =	simm.s32 $0x1BF5;
	[smem:$0x3FB7] =	sst s0  }
0x18: {  	s0 =	sld [smem:$0x3F9A];
	_ =	swait.ge [sflag:s4], $0x0  }
0x19: {  	s7 =	sld [smem:$0x3F9B]  }
0x1a: {  	s8 =	sadd.s32 $0xFFFFE003, lr  }
0x1b: {  	s9 =	sadd.s32 $0xFFFFFEF7, lr;
	s5 =	simm.s32 $0xFFFFFFFF;
	p2 =	slt.u32 s8, $0xFFFFF086  }
0x1c: {  	p1 =	slt.u32 s9, $0xF7A;
	s5 =	simm.s32 @!p2 $0x0  }
0x1d: {  	s5 =	simm.s32 @p1 $0x1;
	p0 =	seq.s32 s7, s2  }
0x1e: {  	s7 =	smul.u32 @!p0 $0xF7A, s2;
	p2 =	seq.s32 @!p0 s5, $0x0  }
0x1f: {  	s9 =	smul.u32 $0xF7A, s1;
	s8 =	simm.s32 @!p0 $0x1BF5;
	p2 =	por !p2, p0  }
0x20: {  	[sflag:s8] =	ssyncset.s32 @!p0 $0xFFFFF086;
	s6 =	sadd.s32 @!p0 s3, s7;
	s7 =	simm.s32 @!p0 $0x108  }
0x21: {  	s3 =	sadd.s32 s3, s9;
	s6 =	sadd.s32 @!p0 $0x88, s6;
	s7 =	simm.s32 @p2 $0x1082  }
0x22: {  	[simem:s7], [sflag:s8] =	dma.local @!p0 [hbm:s6], $0xF7A  }
0x23: {  	s9 =	sor.u32 $0xD0000000, s2;
	s6 =	simm.s32 $0x108;
	_ =	swait.ge @!p0 [sflag:s8], $0x0  }
0x24: {  	s3 =	sadd.s32 $0x88, s3;
	s6 =	simm.s32 @!p1 $0x1082;
	[sflag:s4] =	ssyncset.s32 $0xFFFFF086  }
0x25: {  	[simem:s6], [sflag:s4] =	dma.local [hbm:s3], $0xF7A  }
0x26: {  	[smem:$0x3F9B] =	sst s1;
	(tag) =	ssettag s2;
	_ =	strace s9  }
0x27: {  	s1 =	sld [smem:$0x3FAB]  }
0x28: {  	s2 =	sld [smem:$0x3FAC]  }
0x29: {  	s4 =	sld [smem:$0x3FAE]  }
0x2a: {  	p0 =	seq.s32 s5, $0x0;
	s5 =	sld [smem:$0x3FAF]  }
0x2b: {  	s6 =	sld [smem:$0x3FB0]  }
0x2c: {  	s7 =	sld [smem:$0x3FB1]  }
0x2d: {  	s3 =	simm.s32 $0x108;
	s8 =	sld [smem:$0x3FB2]  }
0x2e: {  	s3 =	simm.s32 @!p0 $0x1082;
	s9 =	sld [smem:$0x3FB3]  }
0x2f: {  	lr =	sadd.s32 s0, s3;
	s0 =	sld [smem:$0x3FAA]  }
0x30: {  	s3 =	sld [smem:$0x3FAD]  }
0x31: {  	[smem:$0x3FB6] =	sst s10  }
0x32: {  	s10 =	sld [smem:$0x3FB4];
	_ =	sdelay $0x3  }
0x33: {  	p0 =	seq.s32 s10, $0x1;
	s10 =	sld [smem:$0x3FB6];
	_ =	sdelay $0x3  }
0x34: {  	[smem:$0x3FB6] =	sst s10  }
0x35: {  	s10 =	sld [smem:$0x3FB5];
	_ =	sdelay $0x3  }
0x36: {  	p1 =	seq.s32 s10, $0x1;
	s10 =	sld [smem:$0x3FB6];
	_ =	sdelay $0x3  }
0x37: {  	[smem:$0x3FB6] =	sst s10  }
0x38: {  	s10 =	sld [smem:$0x3FB7]  }
0x39: {  	_ = 	snop;
	(pc) =	sbr.ind lr, $3  }
0x3a: {  	_ = 	snop  }
0x3b: {  	_ = 	snop  }
0x3c: {  	p2 =	seq.s32 s10, $0x1;
	s10 =	sld [smem:$0x3FB6]  }
0x3d: {  	_ =	shalt  }
0x3e: {  	_ =	shalt  }
0x3f: {  	_ =	shalt  }
0x40: {  	_ =	shalt  }
0x41: {  	_ =	shalt  }
0x42: {  	_ =	shalt  }
0x43: {  	_ =	shalt  }
0x44: {  	_ =	shalt  }
0x45: {  	_ =	shalt  }
0x46: {  	_ =	shalt  }
0x47: {  	_ =	shalt  }
0x48: {  	_ =	shalt  }
0x49: {  	_ =	shalt  }
0x4a: {  	_ =	shalt  }
0x4b: {  	_ =	shalt  }
0x4c: {  	_ =	shalt  }
0x4d: {  	_ =	shalt  }
0x4e: {  	_ =	shalt  }
0x4f: {  	_ =	shalt  }
0x50: {  	_ =	shalt  }
0x51: {  	_ =	shalt  }
0x52: {  	_ =	shalt  }
0x53: {  	_ =	shalt  }
0x54: {  	_ =	shalt  }
0x55: {  	_ =	shalt  }
0x56: {  	_ =	shalt  }
0x57: {  	_ =	shalt  }
0x58: {  	_ =	shalt  }
0x59: {  	_ =	shalt  }
0x5a: {  	_ =	shalt  }
0x5b: {  	_ =	shalt  }
0x5c: {  	_ =	shalt  }
0x5d: {  	_ =	shalt  }
0x5e: {  	_ =	shalt  }
0x5f: {  	_ =	shalt  }
0x60: {  	_ =	shalt  }
0x61: {  	_ =	shalt  }
0x62: {  	_ =	shalt  }
0x63: {  	_ =	shalt  }
0x64: {  	_ =	shalt  }
0x65: {  	_ =	shalt  }
0x66: {  	_ =	shalt  }
0x67: {  	_ =	shalt  }
0x68: {  	_ =	shalt  }
0x69: {  	_ =	shalt  }
0x6a: {  	_ =	shalt  }
0x6b: {  	_ =	shalt  }
0x6c: {  	_ =	shalt  }
0x6d: {  	_ =	shalt  }
0x6e: {  	_ =	shalt  }
0x6f: {  	_ =	shalt  }
0x70: {  	_ =	shalt  }
0x71: {  	_ =	shalt  }
0x72: {  	_ =	shalt  }
0x73: {  	_ =	shalt  }
0x74: {  	_ =	shalt  }
0x75: {  	_ =	shalt  }
0x76: {  	_ =	shalt  }
0x77: {  	_ =	shalt  }
0x78: {  	_ =	shalt  }
0x79: {  	_ =	shalt  }
0x7a: {  	_ =	shalt  }
0x7b: {  	_ =	shalt  }
0x7c: {  	_ =	shalt  }
0x7d: {  	_ =	shalt  }
0x7e: {  	_ =	shalt  }
0x7f: {  	_ =	shalt  }
0x80: {  	_ =	shalt  }
0x81: {  	_ =	shalt  }
0x82: {  	_ =	shalt  }
0x83: {  	_ =	shalt  }
0x84: {  	_ =	shalt  }
0x85: {  	_ =	shalt  }
0x86: {  	_ =	shalt  }
0x87: {  	_ =	shalt  }
.Lfunc_end0:
.L_simem_size_0:
called_computation_lowered:
.L_overlay_start_0:
0x88: {  	s2 =	sld [smem:$0x3FD9]  }
0x89: {  	s3 =	sld [smem:$0x3FFE];
	_ =	sdelay $0x1  }
0x8a: {  	s1 =	srdreg.scid  }
0x8b: {  	s0 =	sand.u32 $0x1, s1  }
0x8c: {  	s14 =	sshll.u32 s0, $0xA;
	s2 =	sadd.s32 s3, s2  }
0x8d: {  	s2 =	sadd.s32 s2, s14  }
0x8e: {  	[smem:$0x3FC2] =	sst s2  }
0x8f: {  	_ = 	snop  }
0x90: {  	s2 =	sld [smem:$0x3FC9]  }
0x91: {  	s15 =	sld [smem:$0x3FD0]  }
0x92: {  	s4 =	sld [smem:$0x3FC8]  }
0x93: {  	s5 =	sld [smem:$0x3FC5]  }
0x94: {  	s7 =	simm.s32 $0xA;
	s8 =	simm.s32 $0x10;
	s6 =	sld [smem:$0x3FC4]  }
0x95: {  	[smem:s8], [sflag:s7] =	dma.local [hbm:s15], $0x1  }
0x96: {  	_ =	swait.eq [sflag:s7], $0x1  }
0x97: {  	[sflag:s7] =	ssyncset.done $0x0  }
0x98: {  	s16 =	sld [smem:$0x10];
	[sflag:s7] =	ssyncadd.s32 $0xFFFFFFFF  }
0x99: {  	s17 =	sld [smem:$0x11];
	(tm) =	ssettm $0x1  }
0x9a: {  	s18 =	sld [smem:$0x3FFB];
	_ =	sdelay $0x3  }
0x9b: {  	_ =	strace s18  }
0x9c: {  	s8 =	sld [smem:$0x3FFC];
	_ =	sdelay $0x3  }
0x9d: {  	_ =	strace s8  }
0x9e: {  	s8 =	sld [smem:$0x3FFD];
	_ =	sdelay $0x3  }
0x9f: {  	_ =	strace s8  }
0xa0: {  	_ =	strace $0x8FFFFFFF  }
0xa1: {  	s19 =	sld [smem:$0x3FDB];
	_ =	sdelay $0x1  }
0xa2: {  	s9 =	simm.s32 $_scs_section_size  }
0xa3: {  	s10 =	simm.s32 $_size__tile_overlayer_lowered;
	s11 =	simm.s32 $_tile_overlayer_lowered  }
0xa4: {  	s22 =	simm.s32 $0x1BFF;
	s21 =	sshll.u32 s11, $0x1;
	s8 =	sadd.s32 s9, s19  }
0xa5: {  	s12 =	simm.s32 $0x0;
	s20 =	sshll.u32 s10, $0x1;
	s10 =	sadd.s32 s21, s8  }
0xa6: {  	[timem:s12], [sflag:s22] =	dma.local [hbm:s10], s20  }
0xa7: {  	_ =	swait.ge [sflag:s22], s20  }
0xa8: {  	s9 =	ssub.s32 $0x0, s20;
	[sflag:s22] =	ssyncset.done $0x0  }
0xa9: {  	[sflag:s22] =	ssyncadd.s32 s9;
	_ =	sdelay $0x1  }
0xaa: {  	s23 =	simm.s32 $0x1B8B  }
0xab: {  	_ =	swait.ge [sflag:s23], $0x1  }
0xac: {  	[sflag:s23] =	ssyncset.done $0x0  }
0xad: {  	s25 =	simm.s32 $0x1B8E;
	s24 =	sld [smem:$0x3FFE];
	[sflag:s23] =	ssyncadd.s32 $0xFFFFFFFF  }
0xae: {  	s26 =	simm.s32 $execute0_lowered;
	[smem:$0x3FD2] =	sst s25  }
0xaf: {  	s10 =	sshll.u32 s26, $0x1;
	_ =	strace $0x80000046;
	[dreg:$0x1] =	wrdreg $0xFFFFFFFF  }
0xb0: {  	s28 =	simm.s32 $_size_execute0_lowered;
	s8 =	sadd.s32 s8, s10;
	[dreg:$0x0] =	wrdreg $0x0  }
0xb1: {  	s10 =	sshll.u32 s28, $0x1;
	[dreg:$0x2] =	wrdreg s8  }
0xb2: {  	[dreg:$0x3] =	wrdreg s10  }
0xb3: {  	[dreg:$0x4] =	wrdreg $0xC0  }
0xb4: {  	_ =	task [dreg:s12], $0x5FFFF  }
0xb5: {  	[dreg:$0x1] =	wrdreg $0xFFFFFFFF  }
0xb6: {  	[dreg:$0x0] =	wrdreg $0x60  }
0xb7: {  	[dreg:$0x2] =	wrdreg s2  }
0xb8: {  	[dreg:$0x3] =	wrdreg s4  }
0xb9: {  	[dreg:$0x4] =	wrdreg s24  }
0xba: {  	[dreg:$0x5] =	wrdreg s5  }
0xbb: {  	[dreg:$0x6] =	wrdreg s6  }
0xbc: {  	[dreg:$0x7] =	wrdreg s16  }
0xbd: {  	[dreg:$0x8] =	wrdreg s17  }
0xbe: {  	[dreg:$0x9] =	wrdreg $0x9  }
0xbf: {  	_ =	task.clear_ibuf [dreg:s12], $0xAFFFF;
	_ =	strace $0x90000046  }
0xc0: {  	s29 =	simm.s32 $0x9;
	_ =	strace $0x80000048  }
0xc1: {  	_ =	swait.ge [sflag:s29], $0x1  }
0xc2: {  	[sflag:s29] =	ssyncadd.s32 $0xFFFFFFFF  }
0xc3: {  	_ =	strace $0x90000048  }
0xc4: {  	_ =	sfence  }
0xc5: {  	s30 =	sld [smem:$0x0];
	_ =	sdelay $0x2  }
0xc6: {  	s31 =	sshll.u32 s1, $0xD;
	s1 =	sshrl.u32 s1, $0x2  }
0xc7: {  	s3 =	sand.u32 $0x4000, s31;
	s1 =	sadd.s32 s1, s30  }
0xc8: {  	s0 =	sor.u32 s3, s0;
	s1 =	sshll.u32 s1, $0x11  }
0xc9: {  	s0 =	sor.u32 s1, s0  }
0xca: {  	s0 =	sadd.s32 $0x8F2B, s0  }
0xcb: {  	[sflag:s0] =	ssyncadd.remote.s32 $0x1  }
0xcc: {  	_ =	sfence.sel $0xFFFF  }
0xcd: {  	[dreg:$0x0] =	wrdreg $0xFFFFFFFF;
	(pc) =	sbr.abs _section_cstart, $3  }
0xce: {  	[dreg:$0x1] =	wrdreg $0xFFFFFFFF  }
0xcf: {  	_ =	task.clear_ibuf [dreg:s12], $0x2FFFF;
	_ =	strace $0x9FFFFFFF  }
0xd0: {  	(tm) =	ssettm $0x7FFFFFFF  }
0xd1: {  	_ =	shalt  }
tec
execute0_lowered:
.L_overlay_start_1:
0x0: {  	(tag) =	ssettag $0x1  }
0x1: {  	s0 =	rddreg [dreg:$0x0]  }
0x2: {  	s1 =	rddreg [dreg:$0x1]  }
0x3: {  	s2 =	rddreg [dreg:$0x2];
	v0 =	vimm.s32 $0x76543210  }
0x4: {  	s4 =	rddreg [dreg:$0x5];
	v1 =	vimm.s32 $0xFEDCBA98;
	v2 =	vimm.s32 $0xBA98FEDC;
	v3 =	vimm.s32 $0x32107654  }
0x5: {  	s13 =	rddreg [dreg:$0x6];
	s3 =	simm.s32 $0x0;
	v4 =	vimm.s32 $0xDCFE98BA;
	v5 =	vimm.s32 $0x54761032;
	v6 =	vimm.s32 $0xEFCDAB89  }
0x6: {  	s5 =	srdreg.scid;
	s7 =	stileid.u32;
	v7 =	vimm.s32 $0x67452301;
	s15 =	simm.s32 $0x400;
	vm0 =	vmmov $0x1;
	vm1 =	vcmask $0x320  }
0x7: {  	s16 =	simm.s32 $0x4000;
	s17 =	simm.s32 $0x8000;
	s18 =	simm.s32 $0x10000;
	vm2 =	vcmask $0x720;
	vm3 =	vcmask $0xB20;
	vm4 =	vcmask $0xF20  }
0x8: {  	s21 =	simm.s32 $0x5;
	s23 =	simm.s32 $0x18D00;
	s24 =	simm.s32 $0x18D80;
	vm5 =	vcmask $0x1320;
	vm6 =	vcmask $0x1720;
	vm7 =	vcmask $0x1B20  }
0x9: {  	s28 =	simm.s32 $0x2;
	s29 =	simm.s32 $0x3;
	s30 =	simm.s32 $0x18400;
	v0 =	vunpack.c.l.s4.s8 v0;
	v1 =	vunpack.c.l.s4.s8 v1;
	v2 =	vunpack.c.l.s4.s8 v2  }
0xa: {  	s31 =	simm.s32 $0x18800;
	[smem:$0x7FF] =	sst s3;
	s6 =	sand.u32 $0x1, s5;
	v3 =	vunpack.c.l.s4.s8 v3;
	v4 =	vunpack.c.l.s4.s8 v4;
	v5 =	vunpack.c.l.s4.s8 v5  }
0xb: {  	s7 =	sshll.u32 s7, $0x1;
	s5 =	sadd.s32 $0x800, s2;
	v6 =	vunpack.c.l.s4.s8 v6;
	v7 =	vunpack.c.l.s4.s8 v7;
	_ =	strace $0x80000047;
	v2 =	vunpack.c.0.s8.s32 v2  }
0xc: {  	s8 =	ssub.s32 $0x2, s6;
	s9 =	sor.u32 s6, s7;
	s6 =	sadd.s32 $0x600, s2;
	v3 =	vunpack.c.0.s8.s32 v3;
	v4 =	vunpack.c.0.s8.s32 v4;
	v5 =	vunpack.c.0.s8.s32 v5  }
0xd: {  	s25 =	sshrl.u32 s8, $0x1;
	s7 =	sshll.u32 s9, $0x10;
	s26 =	sshll.u32 s9, $0x7;
	v1 =	vunpack.c.0.s8.s32 v1;
	v6 =	vunpack.c.0.s8.s32 v6;
	v7 =	vunpack.c.0.s8.s32 v7  }
0xe: {  	v0 =	vunpack.c.0.s8.s32 v0;
	s2 =	ssub.s32 s8, s25;
	s7 =	sadd.s32 s0, s7;
	s10 =	sadd.s32 s1, s26;
	v2 =	vcombine.low v3, v2;
	v3 =	vcombine.low v5, v4  }
0xf: {  	s12 =	sadd.s32 s4, s26;
	s13 =	sadd.s32 s13, s26;
	s25 =	simm.s32 $0x4;
	v1 =	vand.u32 $0xF, v1;
	v4 =	vcombine.low v7, v6;
	v5 =	vimm.s32 $0x4  }
0x10: {  	s26 =	simm.s32 $0x1;
	s0 =	simm.s32 $0x0;
	s8 =	sadd.s32 $0x200000, s7;
	v6 =	vimm.s32 $0x0;
	v0 =	vcombine.low v1, v0;
	v1 =	vand.u32 $0xF, v2  }
0x11: {  	s9 =	sadd.s32 $0x400000, s7;
	s11 =	sadd.s32 $0x600000, s7;
	s14 =	smax.u32 s2, $0x1;
	v2 =	vand.u32 $0xF, v3;
	v3 =	vand.u32 $0xF, v4;
	v4 =	vlaneseq.u32  }
.LBB2_1:
0x12: {  	[tilespmem:s3], [sflag:$0x1] =	stream.strided.gather [hbm4b:s7+s15], $0x8000, s16, s15, $0x38;
	[tilespmem:$0x18E00] =	vst v63  }
0x13: {  	_ = 	snop  }
0x14: {  	[tilespmem:s17], [sflag:$0x2] =	stream.strided.gather [hbm4b:s8+s15], $0x8000, s16, s15, $0x38;
	[tilespmem:$0x18E00] =	vst v63  }
0x15: {  	_ = 	snop  }
0x16: {  	[tilespmem:s18], [sflag:$0x3] =	stream.strided.gather [hbm4b:s9+s15], $0x8000, s16, s15, $0x38;
	[tilespmem:$0x18E00] =	vst v63  }
0x17: {  	s1 =	simm.s32 $0x18000  }
0x18: {  	[tilespmem:s1], [sflag:$0x4] =	stream.linear.gather [hbm4b:s10+s3], $0x400, $0x38;
	[tilespmem:$0x18E00] =	vst v63  }
0x19: {  	s20 =	simm.s32 $0x18C00  }
0x1a: {  	[tilespmem:s20], [sflag:$0x5] =	stream.linear.gather [hbm4b:s6+s3], $0x80, $0x38;
	[tilespmem:$0x18E00] =	vst v63  }
0x1b: {  	_ =	swait.ge [sflag:s21], $0x80  }
0x1c: {  	[sflag:s21] =	ssyncset.done $0x0  }
0x1d: {  	[sflag:s21] =	ssyncadd.s32 $0xFFFFFF80  }
0x1e: {  	s2 =	simm.s32 $0x18C80;
	s22 =	rddreg [dreg:$0x3]  }
0x1f: {  	[tilespmem:s2], [sflag:$0x5] =	stream.linear.gather [hbm4b:s22+s3], $0x80, $0x38;
	[tilespmem:$0x18E00] =	vst v63  }
0x20: {  	_ =	swait.ge [sflag:s21], $0x80  }
0x21: {  	[sflag:s21] =	ssyncset.done $0x0  }
0x22: {  	[sflag:s21] =	ssyncadd.s32 $0xFFFFFF80  }
0x23: {  	s2 =	rddreg [dreg:$0x4]  }
0x24: {  	[tilespmem:s23], [sflag:$0x5] =	stream.linear.gather [hbm4b:s2+s3], $0x80, $0x38;
	[tilespmem:$0x18E00] =	vst v63  }
0x25: {  	_ =	swait.ge [sflag:s21], $0x80  }
0x26: {  	[sflag:s21] =	ssyncset.done $0x0  }
0x27: {  	[sflag:s21] =	ssyncadd.s32 $0xFFFFFF80  }
0x28: {  	[tilespmem:s24], [sflag:$0x5] =	stream.linear.gather [hbm4b:s5+s3], $0x80, $0x38;
	[tilespmem:$0x18E00] =	vst v63  }
0x29: {  	_ =	swait.ge [sflag:s21], $0x80  }
0x2a: {  	[sflag:s21] =	ssyncset.done $0x0  }
0x2b: {  	[sflag:s21] =	ssyncadd.s32 $0xFFFFFF80  }
0x2c: {  	v7 =	vld [tilespmem:$0x18C00];
	_ =	sdelay $0x4  }
0x2d: {  	v7 =	vadd.f32 v7, v7;
	_ =	sdelay $0x1  }
0x2e: {  	v7 =	vmul.f32 $1.442695020e+00, v7;
	_ =	sdelay $0x1  }
0x2f: {  	(erf) = vpow2.f32 v7;
	_ =	sdelay $0x3  }
0x30: {  	v7 =	vld [tilespmem:$0x18C10];
	_ =	sdelay $0x4  }
0x31: {  	v7 =	vadd.f32 v7, v7;
	v8 =	vpop (erf)  }
0x32: {  	v8 =	vadd.f32 $1.000000000e+00, v8  }
0x33: {  	v7 =	vmul.f32 $1.442695020e+00, v7  }
0x34: {  	(erf) = vrcp.f32 v8  }
0x35: {  	(erf) = vpow2.f32 v7;
	_ =	sdelay $0x3  }
0x36: {  	v7 =	vld [tilespmem:$0x18C20];
	_ =	sdelay $0x3  }
0x37: {  	v9 =	vpop (erf)  }
0x38: {  	v7 =	vadd.f32 v7, v7;
	v8 =	vpop (erf)  }
0x39: {  	v8 =	vadd.f32 $1.000000000e+00, v8  }
0x3a: {  	v7 =	vmul.f32 $1.442695020e+00, v7  }
0x3b: {  	(erf) = vrcp.f32 v8  }
0x3c: {  	(erf) = vpow2.f32 v7;
	_ =	sdelay $0x3  }
0x3d: {  	v7 =	vld [tilespmem:$0x18C30];
	_ =	sdelay $0x3  }
0x3e: {  	v10 =	vpop (erf)  }
0x3f: {  	v7 =	vadd.f32 v7, v7;
	v8 =	vpop (erf)  }
0x40: {  	v8 =	vadd.f32 $1.000000000e+00, v8  }
0x41: {  	v7 =	vmul.f32 $1.442695020e+00, v7  }
0x42: {  	(erf) = vrcp.f32 v8  }
0x43: {  	(erf) = vpow2.f32 v7;
	_ =	sdelay $0x3  }
0x44: {  	v7 =	vld [tilespmem:$0x18C40];
	_ =	sdelay $0x3  }
0x45: {  	v11 =	vpop (erf)  }
0x46: {  	v7 =	vadd.f32 v7, v7;
	v8 =	vpop (erf)  }
0x47: {  	v8 =	vadd.f32 $1.000000000e+00, v8  }
0x48: {  	v7 =	vmul.f32 $1.442695020e+00, v7  }
0x49: {  	(erf) = vrcp.f32 v8  }
0x4a: {  	(erf) = vpow2.f32 v7;
	_ =	sdelay $0x3  }
0x4b: {  	v7 =	vld [tilespmem:$0x18C50];
	_ =	sdelay $0x3  }
0x4c: {  	v12 =	vpop (erf)  }
0x4d: {  	v7 =	vadd.f32 v7, v7;
	v8 =	vpop (erf)  }
0x4e: {  	v13 =	vadd.f32 $1.000000000e+00, v8;
	v8 =	vld [tilespmem:$0x18C80]  }
0x4f: {  	v9 =	vadd.f32 v9, v9;
	v14 =	vmul.f32 $1.442695020e+00, v7;
	v7 =	vld [tilespmem:$0x18D00]  }
0x50: {  	(erf) = vrcp.f32 v13  }
0x51: {  	v9 =	vsub.f32 $1.000000000e+00, v9;
	(erf) = vpow2.f32 v14;
	_ =	sdelay $0x1  }
0x52: {  	v13 =	vmul.f32 v9, v8  }
0x53: {  	v9 =	vmul.f32 v9, v7  }
0x54: {  	v10 =	vadd.f32 v10, v10;
	v14 =	vld [tilespmem:$0x18C60];
	v15 =	vperm.xlane v13, v0  }
0x55: {  	v16 =	vperm.xlane v9, v0  }
0x56: {  	v10 =	vsub.f32 $1.000000000e+00, v10;
	v13 =	vadd.f32 v13, v15  }
0x57: {  	v9 =	vadd.f32 v9, v16  }
0x58: {  	v18 =	vmul.f32 v10, v8;
	v15 =	vpop (erf);
	v17 =	vperm.xlane v13, v1  }
0x59: {  	v10 =	vmul.f32 v10, v7;
	v14 =	vadd.f32 v14, v14;
	v19 =	vperm.xlane v9, v1;
	v16 =	vpop (erf)  }
0x5a: {  	v16 =	vadd.f32 $1.000000000e+00, v16;
	v13 =	vadd.f32 v13, v17;
	v17 =	vperm.xlane v18, v0  }
0x5b: {  	v14 =	vmul.f32 $1.442695020e+00, v14;
	v9 =	vadd.f32 v9, v19  }
0x5c: {  	(erf) = vrcp.f32 v16;
	v17 =	vadd.f32 v18, v17;
	v18 =	vperm.xlane v10, v0  }
0x5d: {  	(erf) = vpow2.f32 v14;
	v14 =	vperm.xlane v13, v2  }
0x5e: {  	v11 =	vadd.f32 v11, v11;
	v12 =	vadd.f32 v12, v12;
	v16 =	vperm.xlane v9, v2  }
0x5f: {  	v10 =	vadd.f32 v10, v18;
	v13 =	vadd.f32 v13, v14;
	v14 =	vperm.xlane v17, v1  }
0x60: {  	v11 =	vsub.f32 $1.000000000e+00, v11;
	v12 =	vsub.f32 $1.000000000e+00, v12  }
0x61: {  	v9 =	vadd.f32 v9, v16;
	v16 =	vld [tilespmem:$0x18C70];
	v14 =	vadd.f32 v17, v14;
	v17 =	vperm.xlane v10, v1  }
0x62: {  	v15 =	vadd.f32 v15, v15;
	v19 =	vmul.f32 v11, v8;
	v18 =	vperm.xlane v13, v3  }
0x63: {  	v52 =	vmul.f32 v12, v8;
	v11 =	vmul.f32 v11, v7  }
0x64: {  	v15 =	vsub.f32 $1.000000000e+00, v15;
	v13 =	vadd.f32 v13, v18;
	v18 =	vperm.xlane v19, v0  }
0x65: {  	v12 =	vmul.f32 v12, v7;
	v53 =	vperm.xlane v11, v0;
	v10 =	vadd.f32 v10, v17;
	v17 =	vpop (erf)  }
0x66: {  	v55 =	vmul.f32 v15, v8;
	v16 =	vadd.f32 v16, v16;
	v18 =	vadd.f32 v19, v18;
	v19 =	vpop (erf)  }
0x67: {  	v50 =	vperm.xlane v14, v2;
	v51 =	vperm.xlane v10, v2;
	v19 =	vadd.f32 $1.000000000e+00, v19  }
0x68: {  	v16 =	vmul.f32 $1.442695020e+00, v16;
	v21 =	vperm.xlane v18, v1  }
0x69: {  	v14 =	vadd.f32 v14, v50;
	v10 =	vadd.f32 v10, v51;
	(erf) = vrcp.f32 v19  }
0x6a: {  	v20 =	vperm.xlane v9, v3;
	v18 =	vadd.f32 v18, v21;
	(erf) = vpow2.f32 v16  }
0x6b: {  	v22 =	vperm.xlane v14, v3;
	v16 =	vperm.xlane v10, v3  }
0x6c: {  	v11 =	vadd.f32 v11, v53;
	v9 =	vadd.f32 v9, v20;
	v19 =	vperm.xlane v18, v2  }
0x6d: {  	v14 =	vadd.f32 v14, v22;
	v10 =	vadd.f32 v10, v16;
	v16 =	vperm.xlane v52, v0  }
0x6e: {  	v13 =	vnsel vm0, $0xFF800000, v13;
	v18 =	vadd.f32 v18, v19;
	v19 =	vperm.xlane v12, v0  }
0x6f: {  	v15 =	vmul.f32 v15, v7;
	v13 =	vsel vm1, v13, v14;
	v14 =	vadd.f32 v52, v16  }
0x70: {  	v54 =	vperm.xlane v11, v1;
	v9 =	vnsel vm0, $0xFF800000, v9;
	v12 =	vadd.f32 v12, v19  }
0x71: {  	v58 =	vperm.xlane v15, v0;
	v9 =	vsel vm1, v9, v10;
	v10 =	vperm.xlane v14, v1  }
0x72: {  	v11 =	vadd.f32 v11, v54;
	v56 =	vperm.xlane v12, v1;
	v19 =	vpop (erf)  }
0x73: {  	v15 =	vadd.f32 v15, v58;
	v10 =	vadd.f32 v14, v10;
	v14 =	vperm.xlane v55, v0;
	v57 =	vpop (erf)  }
0x74: {  	v23 =	vperm.xlane v11, v2;
	v12 =	vadd.f32 v12, v56;
	v22 =	vadd.f32 $1.000000000e+00, v57  }
0x75: {  	v16 =	vperm.xlane v18, v3;
	v14 =	vadd.f32 v55, v14;
	v59 =	vperm.xlane v10, v2  }
0x76: {  	v11 =	vadd.f32 v11, v23;
	v60 =	vperm.xlane v12, v2;
	(erf) = vrcp.f32 v22  }
0x77: {  	v16 =	vadd.f32 v18, v16;
	v10 =	vadd.f32 v10, v59;
	v18 =	vperm.xlane v14, v1  }
0x78: {  	v62 =	vperm.xlane v15, v1;
	v61 =	vperm.xlane v11, v3;
	v12 =	vadd.f32 v12, v60  }
0x79: {  	v13 =	vsel vm2, v13, v16;
	v14 =	vadd.f32 v14, v18;
	v16 =	vperm.xlane v10, v3  }
0x7a: {  	v15 =	vadd.f32 v15, v62;
	v11 =	vadd.f32 v11, v61;
	v18 =	vperm.xlane v12, v3  }
0x7b: {  	v17 =	vadd.f32 v17, v17;
	v10 =	vadd.f32 v10, v16;
	v16 =	vperm.xlane v14, v2  }
0x7c: {  	v9 =	vsel vm2, v9, v11;
	v11 =	vadd.f32 v12, v18;
	v12 =	vperm.xlane v15, v2  }
0x7d: {  	v10 =	vsel vm3, v13, v10;
	v13 =	vadd.f32 v14, v16;
	v14 =	vsub.f32 $1.000000000e+00, v17  }
0x7e: {  	v9 =	vsel vm3, v9, v11;
	v11 =	vadd.f32 v15, v12  }
0x7f: {  	v12 =	vadd.f32 v19, v19;
	v16 =	vperm.xlane v13, v3;
	v17 =	vmul.f32 v14, v8;
	v15 =	vpop (erf)  }
0x80: {  	v14 =	vmul.f32 v14, v7;
	v18 =	vperm.xlane v11, v3;
	v15 =	vadd.f32 v15, v15  }
0x81: {  	v12 =	vsub.f32 $1.000000000e+00, v12;
	v13 =	vadd.f32 v13, v16;
	v16 =	vperm.xlane v17, v0  }
0x82: {  	v11 =	vadd.f32 v11, v18;
	v18 =	vperm.xlane v14, v0;
	v15 =	vsub.f32 $1.000000000e+00, v15  }
0x83: {  	v19 =	vmul.f32 v12, v8;
	v12 =	vmul.f32 v12, v7;
	v10 =	vsel vm4, v10, v13  }
0x84: {  	v13 =	vadd.f32 v17, v16;
	v8 =	vmul.f32 v15, v8;
	v7 =	vmul.f32 v15, v7  }
0x85: {  	v9 =	vsel vm4, v9, v11;
	v11 =	vperm.xlane v19, v0;
	v15 =	vperm.xlane v12, v0  }
0x86: {  	v14 =	vadd.f32 v14, v18;
	v16 =	vperm.xlane v8, v0;
	v17 =	vperm.xlane v7, v0  }
0x87: {  	v18 =	vperm.xlane v13, v1;
	v11 =	vadd.f32 v19, v11;
	v12 =	vadd.f32 v12, v15  }
0x88: {  	v15 =	vperm.xlane v14, v1;
	v8 =	vadd.f32 v8, v16;
	v7 =	vadd.f32 v7, v17  }
0x89: {  	v13 =	vadd.f32 v13, v18;
	v16 =	vperm.xlane v11, v1;
	v17 =	vperm.xlane v12, v1  }
0x8a: {  	v14 =	vadd.f32 v14, v15;
	v18 =	vperm.xlane v8, v1;
	v15 =	vperm.xlane v7, v1  }
0x8b: {  	v11 =	vadd.f32 v11, v16;
	v16 =	vperm.xlane v13, v2;
	v12 =	vadd.f32 v12, v17  }
0x8c: {  	v17 =	vperm.xlane v14, v2;
	v8 =	vadd.f32 v8, v18;
	v7 =	vadd.f32 v7, v15  }
0x8d: {  	v18 =	vperm.xlane v11, v2;
	v13 =	vadd.f32 v13, v16;
	v15 =	vperm.xlane v12, v2  }
0x8e: {  	v14 =	vadd.f32 v14, v17;
	v16 =	vperm.xlane v8, v2;
	v17 =	vperm.xlane v7, v2  }
0x8f: {  	v11 =	vadd.f32 v11, v18;
	v18 =	vperm.xlane v13, v3;
	v12 =	vadd.f32 v12, v15  }
0x90: {  	v15 =	vperm.xlane v14, v3;
	v8 =	vadd.f32 v8, v16;
	v7 =	vadd.f32 v7, v17  }
0x91: {  	v16 =	vperm.xlane v11, v3;
	v13 =	vadd.f32 v13, v18;
	v17 =	vperm.xlane v12, v3  }
0x92: {  	v14 =	vadd.f32 v14, v15;
	v18 =	vperm.xlane v8, v3;
	v15 =	vperm.xlane v7, v3  }
0x93: {  	v11 =	vadd.f32 v11, v16;
	v10 =	vsel vm5, v10, v13;
	v12 =	vadd.f32 v12, v17  }
0x94: {  	v9 =	vsel vm5, v9, v14;
	v8 =	vadd.f32 v8, v18;
	v7 =	vadd.f32 v7, v15  }
0x95: {  	v10 =	vsel vm6, v10, v11;
	v9 =	vsel vm6, v9, v12  }
0x96: {  	s4 =	simm.s32 $0x0;
	v11 =	vsel vm7, v10, v8;
	v12 =	vsel vm7, v9, v7  }
0x97: {  	v7 =	vmov s4;
	v8 =	vmul.u32 $0x80, v4;
	v9 =	vperm.xlane v11, v0  }
0x98: {  	v10 =	vand.u32 $0x7, v4;
	v13 =	vshll.u32 v7, $0x7;
	v14 =	vperm.xlane v12, v0  }
0x99: {  	v7 =	vld [tilespmem:$0x18D80];
	v10 =	vmul.u32 $0x80, v10;
	_ =	swait.ge [sflag:s25], $0x400;
	v13 =	vor.u32 v8, v13;
	v15 =	vmax.f32 v11, v9  }
0x9a: {  	[sflag:s25] =	ssyncset.done $0x0;
	v13 =	vand.u32 $0x7400, v13;
	v14 =	vmax.f32 v12, v14;
	v17 =	vperm.xlane v15, v1  }
0x9b: {  	v9 =	vor.u32 $0x1, v10;
	[sflag:s25] =	ssyncadd.s32 $0xFFFFFC00;
	v16 =	vor.u32 v10, v13;
	v18 =	vperm.xlane v14, v1  }
0x9c: {  	v13 =	vor.u32 v9, v13;
	_ =	swait.ge [sflag:s26], $0x8000;
	v15 =	vmax.f32 v15, v17  }
0x9d: {  	s19 =	sand.u32 $0x200, s3;
	s1 =	sand.u32 $0x60, s4;
	[sflag:s26] =	ssyncset.done $0x0;
	v14 =	vmax.f32 v14, v18;
	v17 =	vperm.xlane v15, v2  }
0x9e: {  	s1 =	sor.u32 s1, s19;
	[sflag:s26] =	ssyncadd.s32 $0xFFFF8000;
	v18 =	vperm.xlane v14, v2  }
0x9f: {  	v63 =	vld [tilespmem:s1+$0x18000];
	v15 =	vmax.f32 v15, v17  }
0xa0: {  	s4 =	simm.s32 $0x10;
	v16 =	vld.idx.msk [tilespmem:v16+s3+$0x0], $0xffff;
	v14 =	vmax.f32 v14, v18;
	v17 =	vperm.xlane v15, v3  }
0xa1: {  	v19 =	vmov s4;
	v13 =	vld.idx.msk [tilespmem:v13+s3+$0x0], $0xffff;
	v18 =	vperm.xlane v14, v3  }
0xa2: {  	v19 =	vshll.u32 v19, $0x7;
	v15 =	vmax.f32 v15, v17  }
0xa3: {  	v14 =	vmax.f32 v14, v18;
	v17 =	vor.u32 v8, v19;
	vm8 =	veq.f32 v11, v15  }
0xa4: {  	vm9 =	veq.f32 v12, v14;
	v14 =	vand.u32 $0x7FFFFC00, v17;
	v17 =	vshll.u32 v63, $0x1  }
0xa5: {  	v11 =	vmctz.xlane vm8;
	v12 =	vmctz.xlane vm9;
	v15 =	vor.u32 v10, v14  }
0xa6: {  	vm8 =	vgt.f32 v16, $0.0e+00;
	vm9 =	vgt.f32 v13, $0.0e+00;
	vm10 =	vlt.s32 v17, v7  }
0xa7: {  	v14 =	vor.u32 v9, v14;
	v13 =	vsel vm8, $0x2, v6;
	v16 =	vsel vm9, $0x1, v6  }
0xa8: {  	v18 =	vsel vm10, $0x0, v5;
	v17 =	vsel vm10, v11, v12;
	v13 =	vor.u32 v16, v13  }
0xa9: {  	[tilespmem:s1+$0x18400] =	vst v17;
	v13 =	vor.u32 v18, v13  }
0xaa: {  	s22 =	simm.s32 $0x20;
	s20 =	sand.u32 $0x70, s4;
	s4 =	simm.s32 $0x30;
	[tilespmem:s1+$0x18800] =	vst v13  }
0xab: {  	s19 =	sor.u32 s19, s20;
	v16 =	vmov s4;
	v13 =	vmov s22;
	v15 =	vld.idx.msk [tilespmem:v15+s3+$0x0], $0xffff  }
0xac: {  	v16 =	vshll.u32 v16, $0x7;
	v17 =	vld [tilespmem:s19+$0x18000];
	v13 =	vshll.u32 v13, $0x7  }
0xad: {  	v18 =	vor.u32 v8, v13;
	v13 =	vor.u32 v8, v16;
	v16 =	vld.idx.msk [tilespmem:v14+s3+$0x0], $0xffff;
	_ =	sdelay $0x1  }
0xae: {  	v18 =	vand.u32 $0x7400, v18  }
0xaf: {  	v14 =	vor.u32 v9, v18  }
0xb0: {  	s2 =	simm.s32 $0x2;
	s20 =	sand.u32 $0x60, s22;
	s1 =	simm.s32 $0x0;
	vm8 =	vgt.f32 v15, $0.0e+00;
	v15 =	vor.u32 v10, v18;
	v17 =	vshll.u32 v17, $0x1  }
.LBB2_2:
0xb1: {  	s2 =	sadd.s32 $0x2, s2;
	vm9 =	vlt.s32 v17, v7;
	v17 =	vsel vm8, $0x2, v6;
	vm8 =	vgt.f32 v16, $0.0e+00;
	s1 =	sadd.s32 $0x80, s1  }
0xb2: {  	p0 =	slt.u32 s2, $0xE;
	v16 =	vsel vm9, v11, v12;
	v18 =	vsel vm9, $0x0, v5;
	v19 =	vsel vm8, $0x1, v6  }
0xb3: {  	v13 =	vand.u32 $0x7FFFFC00, v13;
	[tilespmem:s19+$0x18400] =	vst v16;
	v16 =	vor.u32 v19, v17  }
0xb4: {  	v17 =	vor.u32 v10, v13;
	v13 =	vor.u32 v9, v13;
	v16 =	vor.u32 v18, v16  }
0xb5: {  	[tilespmem:s19+$0x18800] =	vst v16  }
0xb6: {  	s19 =	sand.u32 $0x200, s1;
	v15 =	vld.idx.msk [tilespmem:v15+s3+$0x0], $0xffff  }
0xb7: {  	s20 =	sor.u32 s20, s19;
	v14 =	vld.idx.msk [tilespmem:v14+s3+$0x0], $0xffff  }
0xb8: {  	v16 =	vld [tilespmem:s20+$0x18000];
	_ =	sdelay $0x4  }
0xb9: {  	vm8 =	vgt.f32 v15, $0.0e+00;
	vm9 =	vgt.f32 v14, $0.0e+00;
	v16 =	vshll.u32 v16, $0x1  }
0xba: {  	v14 =	vsel vm8, $0x2, v6;
	v15 =	vsel vm9, $0x1, v6;
	vm10 =	vlt.s32 v16, v7  }
0xbb: {  	v14 =	vor.u32 v15, v14;
	v16 =	vsel vm10, v11, v12;
	v18 =	vsel vm10, $0x0, v5  }
0xbc: {  	[tilespmem:s20+$0x18400] =	vst v16;
	v14 =	vor.u32 v18, v14  }
0xbd: {  	[tilespmem:s20+$0x18800] =	vst v14  }
0xbe: {  	s20 =	sand.u32 $0x70, s4;
	v14 =	vld.idx.msk [tilespmem:v17+s3+$0x0], $0xffff  }
0xbf: {  	s4 =	sadd.s32 $0x20, s4;
	s19 =	sor.u32 s19, s20;
	v16 =	vld.idx.msk [tilespmem:v13+s3+$0x0], $0xffff  }
0xc0: {  	s20 =	sadd.s32 $0xFFFFFFF0, s4;
	v13 =	vmov s4;
	v17 =	vld [tilespmem:s19+$0x18000]  }
.Ltmp0:
0xc1: {  	v15 =	vmov s20;
	s20 =	sand.u32 $0x60, s20;
	(pc) =	sbr.rel @p0 .LBB2_2-.Ltmp0, $4  }
0xc2: {  	v15 =	vshll.u32 v15, $0x7;
	v13 =	vshll.u32 v13, $0x7  }
0xc3: {  	v15 =	vor.u32 v8, v15;
	v13 =	vor.u32 v8, v13  }
0xc4: {  	v18 =	vand.u32 $0x7400, v15;
	vm8 =	vgt.f32 v14, $0.0e+00  }
0xc5: {  	v15 =	vor.u32 v10, v18;
	v14 =	vor.u32 v9, v18;
	v17 =	vshll.u32 v17, $0x1  }
0xc6: {  	vm9 =	vgt.f32 v16, $0.0e+00  }
0xc7: {  	vm10 =	vlt.s32 v17, v7;
	v16 =	vsel vm8, $0x2, v6;
	v17 =	vsel vm9, $0x1, v6  }
0xc8: {  	v18 =	vsel vm10, v11, v12;
	v19 =	vsel vm10, $0x0, v5;
	v16 =	vor.u32 v17, v16  }
0xc9: {  	[tilespmem:s19+$0x18400] =	vst v18;
	v16 =	vor.u32 v19, v16  }
0xca: {  	s1 =	sadd.s32 $0x80, s1;
	[tilespmem:s19+$0x18800] =	vst v16  }
0xcb: {  	s1 =	sand.u32 $0x200, s1;
	v15 =	vld.idx.msk [tilespmem:v15+s3+$0x0], $0xffff  }
0xcc: {  	s2 =	sor.u32 s20, s1;
	v14 =	vld.idx.msk [tilespmem:v14+s3+$0x0], $0xffff  }
0xcd: {  	v16 =	vld [tilespmem:s2+$0x18000];
	_ =	sdelay $0x2  }
0xce: {  	v13 =	vand.u32 $0x7FFFFC00, v13  }
0xcf: {  	v17 =	vor.u32 v10, v13;
	v13 =	vor.u32 v9, v13  }
0xd0: {  	v16 =	vshll.u32 v16, $0x1;
	vm8 =	vgt.f32 v15, $0.0e+00;
	vm15 =	vgt.f32 v14, $0.0e+00  }
0xd1: {  	vm12 =	vlt.s32 v16, v7;
	v14 =	vsel vm8, $0x2, v6;
	v15 =	vsel vm15, $0x1, v6  }
0xd2: {  	v16 =	vsel vm12, v11, v12;
	v18 =	vsel vm12, $0x0, v5;
	v14 =	vor.u32 v15, v14  }
0xd3: {  	s4 =	sand.u32 $0x70, s4;
	[tilespmem:s2+$0x18400] =	vst v16;
	v14 =	vor.u32 v18, v14  }
0xd4: {  	s1 =	sor.u32 s1, s4;
	[tilespmem:s2+$0x18800] =	vst v14  }
0xd5: {  	v14 =	vld [tilespmem:s1+$0x18000]  }
0xd6: {  	v15 =	vld.idx.msk [tilespmem:v17+s3+$0x0], $0xffff  }
0xd7: {  	v13 =	vld.idx.msk [tilespmem:v13+s3+$0x0], $0xffff;
	_ =	sdelay $0x2  }
0xd8: {  	v14 =	vshll.u32 v14, $0x1  }
0xd9: {  	s4 =	simm.s32 $0x0;
	vm8 =	vgt.f32 v15, $0.0e+00;
	vm13 =	vlt.s32 v14, v7  }
0xda: {  	v14 =	vsel vm8, $0x2, v6;
	vm8 =	vgt.f32 v13, $0.0e+00;
	v13 =	vmov s4  }
0xdb: {  	v15 =	vsel vm13, v11, v12;
	v16 =	vsel vm8, $0x1, v6;
	v13 =	vshll.u32 v13, $0x7  }
0xdc: {  	v17 =	vsel vm13, $0x0, v5;
	v14 =	vor.u32 v16, v14;
	v13 =	vor.u32 v8, v13  }
0xdd: {  	[tilespmem:s1+$0x18400] =	vst v15;
	v14 =	vor.u32 v17, v14;
	v13 =	vand.u32 $0x7400, v13  }
0xde: {  	[tilespmem:s1+$0x18800] =	vst v14;
	v14 =	vor.u32 v10, v13  }
0xdf: {  	v13 =	vor.u32 v9, v13;
	[tilespmem:s4], [sflag:$0x1] =	stream.strided.gather [hbm4b:s11+s15], $0x8000, s16, s15, $0x38;
	[tilespmem:$0x18E00] =	vst v63  }
0xe0: {  	_ =	swait.ge [sflag:s28], $0x8000  }
0xe1: {  	[sflag:s28] =	ssyncset.done $0x0  }
0xe2: {  	s2 =	sand.u32 $0x200, s4;
	[sflag:s28] =	ssyncadd.s32 $0xFFFF8000  }
0xe3: {  	s19 =	sor.u32 s4, s2;
	v14 =	vld.idx.msk [tilespmem:v14+s17+$0x0], $0xffff  }
0xe4: {  	s22 =	simm.s32 $0x10;
	s20 =	sor.u32 $0x80, s19;
	v13 =	vld.idx.msk [tilespmem:v13+s17+$0x0], $0xffff  }
0xe5: {  	v16 =	vmov s22;
	v15 =	vld [tilespmem:s20+$0x18000]  }
0xe6: {  	v16 =	vshll.u32 v16, $0x7  }
0xe7: {  	v16 =	vor.u32 v8, v16  }
0xe8: {  	v16 =	vand.u32 $0x7FFFFC00, v16  }
0xe9: {  	vm8 =	vgt.f32 v14, $0.0e+00;
	v14 =	vor.u32 v10, v16  }
0xea: {  	v15 =	vshll.u32 v15, $0x1;
	vm14 =	vgt.f32 v13, $0.0e+00;
	v16 =	vor.u32 v9, v16  }
0xeb: {  	vm15 =	vlt.s32 v15, v7;
	v13 =	vsel vm8, $0x2, v6;
	v15 =	vsel vm14, $0x1, v6  }
0xec: {  	v17 =	vsel vm15, $0x0, v5;
	v13 =	vor.u32 v15, v13;
	v15 =	vsel vm15, v11, v12  }
0xed: {  	v13 =	vor.u32 v17, v13;
	[tilespmem:s20+$0x18400] =	vst v15  }
0xee: {  	[tilespmem:s20+$0x18800] =	vst v13  }
0xef: {  	s2 =	sor.u32 s22, s2;
	s1 =	simm.s32 $0x20;
	v15 =	vld.idx.msk [tilespmem:v14+s17+$0x0], $0xffff  }
0xf0: {  	s19 =	sor.u32 $0x80, s2;
	v13 =	vmov s1;
	v16 =	vld.idx.msk [tilespmem:v16+s17+$0x0], $0xffff  }
0xf1: {  	v13 =	vshll.u32 v13, $0x7;
	v17 =	vld [tilespmem:s19+$0x18000]  }
0xf2: {  	v13 =	vor.u32 v8, v13  }
0xf3: {  	v13 =	vand.u32 $0x7400, v13  }
0xf4: {  	s2 =	simm.s32 $0x2;
	v14 =	vor.u32 v10, v13;
	v13 =	vor.u32 v9, v13  }
.LBB2_4:
0xf5: {  	s2 =	sadd.s32 $0x2, s2;
	s4 =	sadd.s32 $0x80, s4  }
0xf6: {  	vm8 =	vgt.f32 v15, $0.0e+00;
	vm9 =	vgt.f32 v16, $0.0e+00;
	p0 =	slt.u32 s2, $0xE;
	v17 =	vshll.u32 v17, $0x1  }
0xf7: {  	v15 =	vsel vm8, $0x2, v6;
	v16 =	vsel vm9, $0x1, v6;
	vm10 =	vlt.s32 v17, v7  }
0xf8: {  	v15 =	vor.u32 v16, v15;
	v17 =	vsel vm10, v11, v12;
	v18 =	vsel vm10, $0x0, v5  }
0xf9: {  	s20 =	sand.u32 $0x200, s4;
	[tilespmem:s19+$0x18400] =	vst v17;
	v15 =	vor.u32 v18, v15  }
0xfa: {  	s22 =	sor.u32 s1, s20;
	[tilespmem:s19+$0x18800] =	vst v15  }
0xfb: {  	s19 =	sor.u32 $0x80, s22;
	v14 =	vld.idx.msk [tilespmem:v14+s17+$0x0], $0xffff  }
0xfc: {  	s22 =	sadd.s32 $0x10, s1;
	v13 =	vld.idx.msk [tilespmem:v13+s17+$0x0], $0xffff  }
0xfd: {  	v16 =	vmov s22;
	s20 =	sor.u32 s22, s20;
	v15 =	vld [tilespmem:s19+$0x18000]  }
0xfe: {  	v16 =	vshll.u32 v16, $0x7  }
0xff: {  	v16 =	vor.u32 v8, v16  }
0x100: {  	v16 =	vand.u32 $0x7FFFFC00, v16  }
0x101: {  	vm8 =	vgt.f32 v14, $0.0e+00;
	v14 =	vor.u32 v10, v16  }
0x102: {  	vm9 =	vgt.f32 v13, $0.0e+00;
	v15 =	vshll.u32 v15, $0x1  }
0x103: {  	v13 =	vsel vm8, $0x2, v6;
	vm10 =	vlt.s32 v15, v7;
	v15 =	vsel vm9, $0x1, v6  }
0x104: {  	v16 =	vor.u32 v9, v16;
	v17 =	vsel vm10, $0x0, v5;
	v13 =	vor.u32 v15, v13  }
0x105: {  	v15 =	vsel vm10, v11, v12;
	v13 =	vor.u32 v17, v13  }
0x106: {  	[tilespmem:s19+$0x18800] =	vst v13  }
0x107: {  	[tilespmem:s19+$0x18400] =	vst v15  }
0x108: {  	s1 =	sadd.s32 $0x20, s1;
	v15 =	vld.idx.msk [tilespmem:v14+s17+$0x0], $0xffff  }
.Ltmp1:
0x109: {  	v13 =	vmov s1;
	s19 =	sor.u32 $0x80, s20;
	v16 =	vld.idx.msk [tilespmem:v16+s17+$0x0], $0xffff;
	(pc) =	sbr.rel @p0 .LBB2_4-.Ltmp1, $4  }
0x10a: {  	v13 =	vshll.u32 v13, $0x7;
	v17 =	vld [tilespmem:s19+$0x18000]  }
0x10b: {  	v13 =	vor.u32 v8, v13  }
0x10c: {  	v13 =	vand.u32 $0x7400, v13  }
0x10d: {  	v14 =	vor.u32 v10, v13;
	v13 =	vor.u32 v9, v13  }
0x10e: {  	_ = 	snop  }
0x10f: {  	vm8 =	vgt.f32 v15, $0.0e+00;
	vm9 =	vgt.f32 v16, $0.0e+00;
	v17 =	vshll.u32 v17, $0x1  }
0x110: {  	v15 =	vsel vm8, $0x2, v6;
	v16 =	vsel vm9, $0x1, v6;
	vm10 =	vlt.s32 v17, v7  }
0x111: {  	s2 =	sadd.s32 $0x80, s4;
	v15 =	vor.u32 v16, v15;
	v17 =	vsel vm10, v11, v12;
	v18 =	vsel vm10, $0x0, v5  }
0x112: {  	s2 =	sand.u32 $0x200, s2;
	[tilespmem:s19+$0x18400] =	vst v17;
	v15 =	vor.u32 v18, v15  }
0x113: {  	s20 =	sor.u32 s1, s2;
	[tilespmem:s19+$0x18800] =	vst v15  }
0x114: {  	s4 =	sor.u32 $0x80, s20;
	v14 =	vld.idx.msk [tilespmem:v14+s17+$0x0], $0xffff  }
0x115: {  	v15 =	vld [tilespmem:s4+$0x18000]  }
0x116: {  	s22 =	sadd.s32 $0x10, s1;
	v13 =	vld.idx.msk [tilespmem:v13+s17+$0x0], $0xffff  }
0x117: {  	v16 =	vmov s22  }
0x118: {  	v16 =	vshll.u32 v16, $0x7  }
0x119: {  	v16 =	vor.u32 v8, v16  }
0x11a: {  	v16 =	vand.u32 $0x7FFFFC00, v16;
	vm8 =	vgt.f32 v14, $0.0e+00;
	v15 =	vshll.u32 v15, $0x1  }
0x11b: {  	v14 =	vor.u32 v10, v16;
	vm14 =	vgt.f32 v13, $0.0e+00;
	vm15 =	vlt.s32 v15, v7  }
0x11c: {  	v13 =	vsel vm8, $0x2, v6;
	v15 =	vsel vm14, $0x1, v6;
	v17 =	vsel vm15, $0x0, v5  }
0x11d: {  	v13 =	vor.u32 v15, v13;
	v15 =	vor.u32 v9, v16;
	v16 =	vsel vm15, v11, v12  }
0x11e: {  	v13 =	vor.u32 v17, v13;
	[tilespmem:s4+$0x18400] =	vst v16  }
0x11f: {  	s1 =	sor.u32 s22, s2;
	[tilespmem:s4+$0x18800] =	vst v13  }
0x120: {  	s1 =	sor.u32 $0x80, s1;
	v13 =	vld.idx.msk [tilespmem:v14+s17+$0x0], $0xffff  }
0x121: {  	v14 =	vld [tilespmem:s1+$0x18000];
	_ =	sdelay $0x1  }
0x122: {  	v15 =	vld.idx.msk [tilespmem:v15+s17+$0x0], $0xffff;
	_ =	sdelay $0x2  }
0x123: {  	s19 =	simm.s32 $0x0;
	v14 =	vshll.u32 v14, $0x1  }
0x124: {  	vm8 =	vgt.f32 v13, $0.0e+00;
	v13 =	vmov s19;
	vm13 =	vlt.s32 v14, v7  }
0x125: {  	v14 =	vsel vm8, $0x2, v6;
	v13 =	vshll.u32 v13, $0x7;
	vm12 =	vgt.f32 v15, $0.0e+00  }
0x126: {  	v16 =	vsel vm13, v11, v12;
	v13 =	vor.u32 v8, v13;
	v15 =	vsel vm12, $0x1, v6  }
0x127: {  	v17 =	vsel vm13, $0x0, v5;
	v13 =	vand.u32 $0x7400, v13;
	v14 =	vor.u32 v15, v14  }
0x128: {  	[tilespmem:s1+$0x18400] =	vst v16;
	v15 =	vor.u32 v10, v13;
	v14 =	vor.u32 v17, v14  }
0x129: {  	[tilespmem:s1+$0x18800] =	vst v14  }
0x12a: {  	v13 =	vor.u32 v9, v13;
	_ =	swait.ge [sflag:s29], $0x8000  }
0x12b: {  	s4 =	simm.s32 $0x0;
	[sflag:s29] =	ssyncset.done $0x0  }
0x12c: {  	s20 =	sand.u32 $0x60, s19;
	s2 =	sand.u32 $0x200, s4;
	[sflag:s29] =	ssyncadd.s32 $0xFFFF8000  }
0x12d: {  	s1 =	sor.u32 s20, s2;
	v14 =	vld.idx.msk [tilespmem:v15+s18+$0x0], $0xffff  }
0x12e: {  	v15 =	vld [tilespmem:s1+$0x18100]  }
0x12f: {  	s22 =	simm.s32 $0x10;
	v13 =	vld.idx.msk [tilespmem:v13+s18+$0x0], $0xffff  }
0x130: {  	v16 =	vmov s22  }
0x131: {  	v16 =	vshll.u32 v16, $0x7  }
0x132: {  	v16 =	vor.u32 v8, v16  }
0x133: {  	v16 =	vand.u32 $0x7FFFFC00, v16;
	v15 =	vshll.u32 v15, $0x1;
	vm8 =	vgt.f32 v14, $0.0e+00  }
0x134: {  	v14 =	vor.u32 v10, v16;
	vm15 =	vgt.f32 v13, $0.0e+00;
	v16 =	vor.u32 v9, v16  }
0x135: {  	vm14 =	vlt.s32 v15, v7;
	v13 =	vsel vm8, $0x2, v6;
	v15 =	vsel vm15, $0x1, v6  }
0x136: {  	v17 =	vsel vm14, v11, v12;
	v18 =	vsel vm14, $0x0, v5;
	v13 =	vor.u32 v15, v13  }
0x137: {  	s20 =	simm.s32 $0x20;
	[tilespmem:s1+$0x18500] =	vst v17;
	v13 =	vor.u32 v18, v13  }
0x138: {  	v15 =	vmov s20;
	[tilespmem:s1+$0x18900] =	vst v13  }
0x139: {  	s22 =	sand.u32 $0x70, s22;
	v13 =	vshll.u32 v15, $0x7;
	v15 =	vld.idx.msk [tilespmem:v14+s18+$0x0], $0xffff  }
0x13a: {  	s19 =	sor.u32 s22, s2;
	v16 =	vld.idx.msk [tilespmem:v16+s18+$0x0], $0xffff  }
0x13b: {  	v17 =	vld [tilespmem:s19+$0x18100]  }
0x13c: {  	v13 =	vor.u32 v8, v13  }
0x13d: {  	v13 =	vand.u32 $0x7400, v13  }
0x13e: {  	s2 =	simm.s32 $0x2;
	s20 =	sand.u32 $0x60, s20;
	s1 =	simm.s32 $0x30;
	v14 =	vor.u32 v10, v13;
	v13 =	vor.u32 v9, v13  }
.LBB2_6:
0x13f: {  	s2 =	sadd.s32 $0x2, s2;
	s4 =	sadd.s32 $0x80, s4  }
0x140: {  	vm8 =	vgt.f32 v15, $0.0e+00;
	vm9 =	vgt.f32 v16, $0.0e+00;
	p0 =	slt.u32 s2, $0xE;
	v17 =	vshll.u32 v17, $0x1  }
0x141: {  	v15 =	vsel vm8, $0x2, v6;
	v16 =	vsel vm9, $0x1, v6;
	vm10 =	vlt.s32 v17, v7  }
0x142: {  	v15 =	vor.u32 v16, v15;
	v17 =	vsel vm10, v11, v12;
	v18 =	vsel vm10, $0x0, v5  }
0x143: {  	[tilespmem:s19+$0x18500] =	vst v17;
	v15 =	vor.u32 v18, v15  }
0x144: {  	s22 =	sand.u32 $0x200, s4;
	[tilespmem:s19+$0x18900] =	vst v15  }
0x145: {  	s19 =	sor.u32 s20, s22;
	v14 =	vld.idx.msk [tilespmem:v14+s18+$0x0], $0xffff  }
0x146: {  	v15 =	vld [tilespmem:s19+$0x18100]  }
0x147: {  	v16 =	vmov s1;
	v13 =	vld.idx.msk [tilespmem:v13+s18+$0x0], $0xffff  }
0x148: {  	v16 =	vshll.u32 v16, $0x7  }
0x149: {  	v16 =	vor.u32 v8, v16  }
0x14a: {  	v16 =	vand.u32 $0x7FFFFC00, v16  }
0x14b: {  	vm8 =	vgt.f32 v14, $0.0e+00;
	v14 =	vor.u32 v10, v16;
	v15 =	vshll.u32 v15, $0x1  }
0x14c: {  	vm9 =	vlt.s32 v15, v7  }
0x14d: {  	vm10 =	vgt.f32 v13, $0.0e+00;
	v15 =	vsel vm9, v11, v12  }
0x14e: {  	v16 =	vor.u32 v9, v16;
	v13 =	vsel vm8, $0x2, v6;
	v17 =	vsel vm10, $0x1, v6  }
0x14f: {  	v18 =	vsel vm9, $0x0, v5;
	v13 =	vor.u32 v17, v13  }
0x150: {  	s20 =	sand.u32 $0x70, s1;
	v13 =	vor.u32 v18, v13;
	[tilespmem:s19+$0x18500] =	vst v15  }
0x151: {  	s1 =	sadd.s32 $0x20, s1;
	[tilespmem:s19+$0x18900] =	vst v13;
	s19 =	sor.u32 s20, s22  }
0x152: {  	s20 =	sadd.s32 $0xFFFFFFF0, s1;
	v15 =	vld.idx.msk [tilespmem:v14+s18+$0x0], $0xffff  }
.Ltmp2:
0x153: {  	v13 =	vmov s20;
	s20 =	sand.u32 $0x60, s20;
	v16 =	vld.idx.msk [tilespmem:v16+s18+$0x0], $0xffff;
	(pc) =	sbr.rel @p0 .LBB2_6-.Ltmp2, $4  }
0x154: {  	v13 =	vshll.u32 v13, $0x7;
	v17 =	vld [tilespmem:s19+$0x18100]  }
0x155: {  	v13 =	vor.u32 v8, v13  }
0x156: {  	v13 =	vand.u32 $0x7400, v13  }
0x157: {  	v14 =	vor.u32 v10, v13;
	v13 =	vor.u32 v9, v13  }
0x158: {  	_ = 	snop  }
0x159: {  	vm8 =	vgt.f32 v15, $0.0e+00;
	vm9 =	vgt.f32 v16, $0.0e+00;
	v17 =	vshll.u32 v17, $0x1  }
0x15a: {  	v15 =	vsel vm8, $0x2, v6;
	v16 =	vsel vm9, $0x1, v6;
	vm10 =	vlt.s32 v17, v7  }
0x15b: {  	v15 =	vor.u32 v16, v15;
	v17 =	vsel vm10, v11, v12;
	v18 =	vsel vm10, $0x0, v5  }
0x15c: {  	s2 =	sadd.s32 $0x80, s4;
	[tilespmem:s19+$0x18500] =	vst v17;
	v15 =	vor.u32 v18, v15  }
0x15d: {  	s2 =	sand.u32 $0x200, s2;
	[tilespmem:s19+$0x18900] =	vst v15  }
0x15e: {  	s20 =	sor.u32 s20, s2;
	v14 =	vld.idx.msk [tilespmem:v14+s18+$0x0], $0xffff  }
0x15f: {  	v15 =	vld [tilespmem:s20+$0x18100]  }
0x160: {  	v13 =	vld.idx.msk [tilespmem:v13+s18+$0x0], $0xffff  }
0x161: {  	v16 =	vmov s1  }
0x162: {  	v16 =	vshll.u32 v16, $0x7  }
0x163: {  	v16 =	vor.u32 v8, v16  }
0x164: {  	v16 =	vand.u32 $0x7FFFFC00, v16;
	v15 =	vshll.u32 v15, $0x1;
	vm8 =	vgt.f32 v14, $0.0e+00  }
0x165: {  	v14 =	vor.u32 v10, v16;
	vm15 =	vgt.f32 v13, $0.0e+00;
	v16 =	vor.u32 v9, v16  }
0x166: {  	vm14 =	vlt.s32 v15, v7;
	v15 =	vsel vm8, $0x2, v6;
	v17 =	vsel vm15, $0x1, v6  }
0x167: {  	v13 =	vsel vm14, v11, v12;
	v18 =	vsel vm14, $0x0, v5;
	v15 =	vor.u32 v17, v15  }
0x168: {  	[tilespmem:s20+$0x18500] =	vst v13;
	v13 =	vor.u32 v18, v15  }
0x169: {  	s22 =	sand.u32 $0x70, s1;
	[tilespmem:s20+$0x18900] =	vst v13  }
0x16a: {  	s1 =	sor.u32 s22, s2;
	v13 =	vld.idx.msk [tilespmem:v14+s18+$0x0], $0xffff  }
0x16b: {  	v14 =	vld [tilespmem:s1+$0x18100]  }
0x16c: {  	v15 =	vld.idx.msk [tilespmem:v16+s18+$0x0], $0xffff;
	_ =	sdelay $0x3  }
0x16d: {  	s4 =	simm.s32 $0x0;
	v14 =	vshll.u32 v14, $0x1  }
0x16e: {  	vm8 =	vgt.f32 v13, $0.0e+00;
	vm12 =	vgt.f32 v15, $0.0e+00;
	v13 =	vmov s4  }
0x16f: {  	vm13 =	vlt.s32 v14, v7;
	v14 =	vsel vm8, $0x2, v6;
	v13 =	vshll.u32 v13, $0x7  }
0x170: {  	v15 =	vsel vm12, $0x1, v6;
	v16 =	vsel vm13, v11, v12;
	v13 =	vor.u32 v8, v13  }
0x171: {  	v17 =	vsel vm13, $0x0, v5;
	v14 =	vor.u32 v15, v14;
	v13 =	vand.u32 $0x7400, v13  }
0x172: {  	[tilespmem:s1+$0x18500] =	vst v16;
	v14 =	vor.u32 v17, v14;
	v15 =	vor.u32 v10, v13  }
0x173: {  	[tilespmem:s1+$0x18900] =	vst v14;
	v13 =	vor.u32 v9, v13  }
0x174: {  	_ =	swait.ge [sflag:s26], $0x8000  }
0x175: {  	[sflag:s26] =	ssyncset.done $0x0  }
0x176: {  	[sflag:s26] =	ssyncadd.s32 $0xFFFF8000  }
0x177: {  	s2 =	sor.u32 s4, s4;
	v14 =	vld.idx.msk [tilespmem:v15+s3+$0x0], $0xffff  }
0x178: {  	s19 =	sor.u32 $0x180, s2;
	s20 =	simm.s32 $0x10;
	v13 =	vld.idx.msk [tilespmem:v13+s3+$0x0], $0xffff  }
0x179: {  	v16 =	vmov s20;
	v15 =	vld [tilespmem:s19+$0x18000]  }
0x17a: {  	v16 =	vshll.u32 v16, $0x7  }
0x17b: {  	v16 =	vor.u32 v8, v16  }
0x17c: {  	v16 =	vand.u32 $0x7FFFFC00, v16  }
0x17d: {  	vm8 =	vgt.f32 v14, $0.0e+00;
	v14 =	vor.u32 v10, v16  }
0x17e: {  	v15 =	vshll.u32 v15, $0x1;
	vm14 =	vgt.f32 v13, $0.0e+00;
	v16 =	vor.u32 v9, v16  }
0x17f: {  	vm15 =	vlt.s32 v15, v7;
	v13 =	vsel vm8, $0x2, v6;
	v15 =	vsel vm14, $0x1, v6  }
0x180: {  	v17 =	vsel vm15, $0x0, v5;
	v13 =	vor.u32 v15, v13;
	v15 =	vsel vm15, v11, v12  }
0x181: {  	v13 =	vor.u32 v17, v13;
	[tilespmem:s19+$0x18400] =	vst v15  }
0x182: {  	[tilespmem:s19+$0x18800] =	vst v13  }
0x183: {  	s22 =	sor.u32 s20, s4;
	s1 =	simm.s32 $0x20;
	v15 =	vld.idx.msk [tilespmem:v14+s3+$0x0], $0xffff  }
0x184: {  	v13 =	vmov s1;
	s19 =	sor.u32 $0x180, s22;
	v16 =	vld.idx.msk [tilespmem:v16+s3+$0x0], $0xffff  }
0x185: {  	v13 =	vshll.u32 v13, $0x7;
	v17 =	vld [tilespmem:s19+$0x18000]  }
0x186: {  	v13 =	vor.u32 v8, v13  }
0x187: {  	v13 =	vand.u32 $0x7400, v13  }
0x188: {  	s2 =	simm.s32 $0x2;
	v14 =	vor.u32 v10, v13;
	v13 =	vor.u32 v9, v13  }
.LBB2_8:
0x189: {  	s2 =	sadd.s32 $0x2, s2;
	s4 =	sadd.s32 $0x80, s4  }
0x18a: {  	vm8 =	vgt.f32 v15, $0.0e+00;
	vm9 =	vgt.f32 v16, $0.0e+00;
	p0 =	slt.u32 s2, $0xE;
	v17 =	vshll.u32 v17, $0x1  }
0x18b: {  	v15 =	vsel vm8, $0x2, v6;
	v16 =	vsel vm9, $0x1, v6;
	vm10 =	vlt.s32 v17, v7  }
0x18c: {  	v15 =	vor.u32 v16, v15;
	v17 =	vsel vm10, v11, v12;
	v18 =	vsel vm10, $0x0, v5  }
0x18d: {  	[tilespmem:s19+$0x18400] =	vst v17;
	v15 =	vor.u32 v18, v15  }
0x18e: {  	s20 =	sor.u32 s1, s4;
	[tilespmem:s19+$0x18800] =	vst v15  }
0x18f: {  	s19 =	sor.u32 $0x180, s20;
	v14 =	vld.idx.msk [tilespmem:v14+s3+$0x0], $0xffff  }
0x190: {  	s20 =	sadd.s32 $0x10, s1;
	v13 =	vld.idx.msk [tilespmem:v13+s3+$0x0], $0xffff  }
0x191: {  	v16 =	vmov s20;
	s20 =	sor.u32 s20, s4;
	v15 =	vld [tilespmem:s19+$0x18000]  }
0x192: {  	v16 =	vshll.u32 v16, $0x7  }
0x193: {  	v16 =	vor.u32 v8, v16  }
0x194: {  	v16 =	vand.u32 $0x7FFFFC00, v16  }
0x195: {  	vm8 =	vgt.f32 v14, $0.0e+00;
	v14 =	vor.u32 v10, v16  }
0x196: {  	vm9 =	vgt.f32 v13, $0.0e+00;
	v15 =	vshll.u32 v15, $0x1  }
0x197: {  	v13 =	vsel vm8, $0x2, v6;
	vm10 =	vlt.s32 v15, v7;
	v15 =	vsel vm9, $0x1, v6  }
0x198: {  	v16 =	vor.u32 v9, v16;
	v17 =	vsel vm10, $0x0, v5;
	v13 =	vor.u32 v15, v13  }
0x199: {  	v15 =	vsel vm10, v11, v12;
	v13 =	vor.u32 v17, v13  }
0x19a: {  	[tilespmem:s19+$0x18800] =	vst v13  }
0x19b: {  	[tilespmem:s19+$0x18400] =	vst v15  }
0x19c: {  	s1 =	sadd.s32 $0x20, s1;
	v15 =	vld.idx.msk [tilespmem:v14+s3+$0x0], $0xffff  }
.Ltmp3:
0x19d: {  	v13 =	vmov s1;
	s19 =	sor.u32 $0x180, s20;
	v16 =	vld.idx.msk [tilespmem:v16+s3+$0x0], $0xffff;
	(pc) =	sbr.rel @p0 .LBB2_8-.Ltmp3, $4  }
0x19e: {  	v13 =	vshll.u32 v13, $0x7;
	v17 =	vld [tilespmem:s19+$0x18000]  }
0x19f: {  	v13 =	vor.u32 v8, v13  }
0x1a0: {  	v13 =	vand.u32 $0x7400, v13  }
0x1a1: {  	v14 =	vor.u32 v10, v13;
	v13 =	vor.u32 v9, v13  }
0x1a2: {  	_ = 	snop  }
0x1a3: {  	vm8 =	vgt.f32 v15, $0.0e+00;
	vm9 =	vgt.f32 v16, $0.0e+00;
	v17 =	vshll.u32 v17, $0x1  }
0x1a4: {  	v15 =	vsel vm8, $0x2, v6;
	v16 =	vsel vm9, $0x1, v6;
	vm10 =	vlt.s32 v17, v7  }
0x1a5: {  	v15 =	vor.u32 v16, v15;
	v17 =	vsel vm10, v11, v12;
	v18 =	vsel vm10, $0x0, v5  }
0x1a6: {  	[tilespmem:s19+$0x18400] =	vst v17;
	v15 =	vor.u32 v18, v15  }
0x1a7: {  	s2 =	sadd.s32 $0x80, s4;
	[tilespmem:s19+$0x18800] =	vst v15  }
0x1a8: {  	s4 =	sor.u32 s1, s2;
	v14 =	vld.idx.msk [tilespmem:v14+s3+$0x0], $0xffff  }
0x1a9: {  	s22 =	sadd.s32 $0x10, s1;
	s4 =	sor.u32 $0x180, s4;
	v13 =	vld.idx.msk [tilespmem:v13+s3+$0x0], $0xffff  }
0x1aa: {  	v55 =	vmov s22;
	v15 =	vld [tilespmem:s4+$0x18000]  }
0x1ab: {  	v16 =	vshll.u32 v55, $0x7  }
0x1ac: {  	v8 =	vor.u32 v8, v16  }
0x1ad: {  	v8 =	vand.u32 $0x7FFFFC00, v8  }
0x1ae: {  	v10 =	vor.u32 v10, v8;
	v8 =	vor.u32 v9, v8  }
0x1af: {  	vm8 =	vgt.f32 v14, $0.0e+00;
	v56 =	vshll.u32 v15, $0x1;
	vm12 =	vgt.f32 v13, $0.0e+00  }
0x1b0: {  	vm13 =	vlt.s32 v56, v7;
	v57 =	vsel vm8, $0x2, v6;
	v58 =	vsel vm12, $0x1, v6  }
0x1b1: {  	v59 =	vsel vm13, $0x0, v5;
	v13 =	vor.u32 v58, v57;
	v61 =	vsel vm13, v11, v12  }
0x1b2: {  	v60 =	vor.u32 v59, v13;
	[tilespmem:s4+$0x18400] =	vst v61  }
0x1b3: {  	[tilespmem:s4+$0x18800] =	vst v60  }
0x1b4: {  	s1 =	sor.u32 s22, s2;
	v9 =	vld.idx.msk [tilespmem:v10+s3+$0x0], $0xffff  }
0x1b5: {  	s1 =	sor.u32 $0x180, s1;
	v8 =	vld.idx.msk [tilespmem:v8+s3+$0x0], $0xffff  }
0x1b6: {  	v62 =	vld [tilespmem:s1+$0x18000];
	_ =	sdelay $0x4  }
0x1b7: {  	v10 =	vshll.u32 v62, $0x1;
	vm8 =	vgt.f32 v9, $0.0e+00;
	vm14 =	vgt.f32 v8, $0.0e+00  }
0x1b8: {  	vm15 =	vlt.s32 v10, v7;
	v7 =	vsel vm8, $0x2, v6;
	v8 =	vsel vm14, $0x1, v6  }
0x1b9: {  	v63 =	vsel vm15, v11, v12;
	v10 =	vsel vm15, $0x0, v5;
	v7 =	vor.u32 v8, v7  }
0x1ba: {  	[tilespmem:s1+$0x18400] =	vst v63;
	v7 =	vor.u32 v10, v7  }
0x1bb: {  	[tilespmem:s1+$0x18800] =	vst v7  }
0x1bc: {  	[hbm4b:s12+s3] =	stream.linear.scatter [tilespmem:s30], [sflag:$0x5], $0x400, $0x38;
	[tilespmem:$0x18E00] =	vst v63  }
0x1bd: {  	s0 =	sadd.s32 $0x1, s0;
	_ =	swait.ge [sflag:s21], $0x400  }
0x1be: {  	p0 =	sne.s32 s0, s14;
	[sflag:s21] =	ssyncset.done $0x0  }
.Ltmp4:
0x1bf: {  	[sflag:s21] =	ssyncadd.s32 $0xFFFFFC00;
	(pc) =	sbr.rel @p0 .LBB2_1-.Ltmp4, $4  }
0x1c0: {  	[hbm4b:s13+s3] =	stream.linear.scatter [tilespmem:s31], [sflag:$0x5], $0x400, $0x38;
	[tilespmem:$0x18E00] =	vst v63  }
0x1c1: {  	_ =	swait.ge [sflag:s21], $0x400  }
0x1c2: {  	[sflag:s21] =	ssyncset.done $0x0  }
0x1c3: {  	[sflag:s21] =	ssyncadd.s32 $0xFFFFFC00  }
0x1c4: {  	_ =	sfence.sel $0x180000  }
0x1c5: {  	[bflag:$0x0] =	sbarrier.arrive $0xFFFF  }
0x1c6: {  	_ =	strace $0x90000047  }
0x1c7: {  	s0 =	stileid.u32;
	[bflag:$0x2] =	sbarrier.arrive $0xFFFF  }
0x1c8: {  	p0 =	sne.s32 s0, $0x0;
	s0 =	rddreg [dreg:$0x7]  }
0x1c9: {  	s0 =	sadd.s32 @!p0 $0x100000, s0  }
0x1ca: {  	[sflag:s0] =	ssyncadd.tile.s32 @!p0 $0x1;
	_ =	shalt  }
.Lfunc_end2:
_tile_overlayer_lowered:
.L_overlay_start_2:
0x1cb: {  	(tag) =	ssettag $0x2  }
0x1cc: {  	s0 =	rddreg [dreg:$0x0];
	s2 =	stileid.u32  }
0x1cd: {  	s1 =	rddreg [dreg:$0x1];
	p0 =	sne.s32 s2, $0x0  }
0x1ce: {  	s3 =	rddreg [dreg:$0x2];
	[bflag:$0x3] =	sbarrier.arrive $0xFFFF;
	s2 =	simm.s32 @!p0 $0x1C05  }
0x1cf: {  	[timem:s3], [sflag:s2] =	dma.local @!p0 [hbm:s0], s1  }
0x1d0: {  	s0 =	simm.s32 @!p0 $0x5  }
0x1d1: {  	_ =	swait.ge @!p0 [sflag:s0], s1  }
0x1d2: {  	s1 =	ssub.s32 @!p0 $0x0, s1;
	[sflag:s0] =	ssyncset.done @!p0 $0x0  }
0x1d3: {  	[sflag:s0] =	ssyncadd.s32 @!p0 s1  }
0x1d4: {  	[bflag:$0x3] =	sbarrier.arrive $0xFFFF  }
0x1d5: {  	_ =	shalt  }

</sc_bundles>
